<compile_context>
chip_gen: v7x
topology: tpu7x:2x2x1
jax: 0.10.2.dev20260603
libtpu: 0.0.44.dev20260713+nightly
codegen_flags: <defaults>
</compile_context>

<pallas_src>
import functools

import jax
import jax.numpy as jnp
from jax import lax
from jax.experimental import pallas as pl
from jax.experimental.pallas import tpu as pltpu
from jax.experimental.pallas import tpu_sc as plsc

L_E = 32
N_ROWS = 729
D = 1152
EPS = 1e-8

_RC = 27
_NR = N_ROWS // _RC


def _copy_stats_body(h_ref, x_ref, o_ref, s_ref, dacc, qacc):
    r = pl.program_id(0)
    x = x_ref[...]
    o_ref[...] = x
    h = h_ref[...]

    @pl.when(r == 0)
    def _():
        dacc[...] = jnp.zeros_like(dacc)
        qacc[...] = jnp.zeros_like(qacc)

    dacc[...] += jnp.sum(x * h, axis=0)
    qacc[...] += jnp.sum(x * x, axis=0)

    @pl.when(r == _NR - 1)
    def _():
        dots = jnp.sum(dacc[...], axis=1)
        sqs = jnp.sum(qacc[...], axis=1)
        s_ref[...] = dots / (jnp.sqrt(sqs) + EPS)


def _pass_a(mem_t, h3):
    return pl.pallas_call(
        _copy_stats_body,
        grid=(_NR,),
        in_specs=[
            pl.BlockSpec((_RC, 1, D), lambda r: (r, 0, 0)),
            pl.BlockSpec((_RC, L_E, D), lambda r: (r, 0, 0)),
        ],
        out_specs=[
            pl.BlockSpec((_RC, L_E, D), lambda r: (r, 0, 0)),
            pl.BlockSpec((L_E,), lambda r: (0,)),
        ],
        out_shape=[
            jax.ShapeDtypeStruct((N_ROWS, L_E, D), jnp.float32),
            jax.ShapeDtypeStruct((L_E,), jnp.float32),
        ],
        scratch_shapes=[
            pltpu.VMEM((L_E, D), jnp.float32),
            pltpu.VMEM((L_E, D), jnp.float32),
        ],
    )(h3, mem_t)


_SC_MESH = plsc.VectorSubcoreMesh(core_axis_name="c", subcore_axis_name="s")


@functools.partial(
    pl.kernel,
    mesh=_SC_MESH,
    out_type=jax.ShapeDtypeStruct((16,), jnp.int32),
    scratch_types=[
        pltpu.VMEM((L_E,), jnp.float32),
        pltpu.VMEM((16,), jnp.int32),
    ],
)
def _sc_argmax(scores_hbm, idx_hbm, scores_v, idx_v):
    c = lax.axis_index("c")
    s = lax.axis_index("s")
    wid = s * 2 + c

    @pl.when(wid == 0)
    def _():
        pltpu.sync_copy(scores_hbm, scores_v)
        va = scores_v[pl.ds(0, 16)]
        vb = scores_v[pl.ds(16, 16)]
        svals = [va[j] for j in range(16)] + [vb[j] for j in range(16)]
        best = svals[0]
        idx = jnp.int32(0)
        for j in range(1, L_E):
            take = svals[j] > best
            best = jnp.where(take, svals[j], best)
            idx = jnp.where(take, jnp.int32(j), idx)
        idx_v[...] = jnp.broadcast_to(idx, (16,))
        pltpu.sync_copy(idx_v, idx_hbm)


def _scatter_body(idx_ref, oin_ref, h_ref, o_ref, sem):
    del oin_ref
    idx = idx_ref[0]
    cp = pltpu.make_async_copy(h_ref, o_ref.at[:, idx, :], sem)
    cp.start()
    cp.wait()


def _pass_c(idx_arr, out_t, H_t):
    return pl.pallas_call(
        _scatter_body,
        in_specs=[
            pl.BlockSpec(memory_space=pltpu.SMEM),
            pl.BlockSpec(memory_space=pl.ANY),
            pl.BlockSpec(memory_space=pltpu.VMEM),
        ],
        out_specs=pl.BlockSpec(memory_space=pl.ANY),
        out_shape=jax.ShapeDtypeStruct((N_ROWS, L_E, D), jnp.float32),
        scratch_shapes=[
            pltpu.SemaphoreType.DMA,
        ],
        input_output_aliases={1: 0},
    )(idx_arr, out_t, H_t)


def kernel(mem, H_t):
    mem_t = jnp.transpose(mem, (1, 0, 2))
    h3 = H_t[:, None, :]
    out_t, scores = _pass_a(mem_t, h3)
    idx_arr = _sc_argmax(scores)
    out_t = _pass_c(idx_arr, out_t, H_t)
    return jnp.transpose(out_t, (1, 0, 2))

# --- scband reference (transcript-rebuilt; emitter-appended) ---
"""Pipeline reference for scband-episodic-memory-5102421147692 (READ-ONLY COPY).

The authoritative reference and input builder live on the scoring server;
editing this copy changes nothing except your own understanding.
"""

import jax, jax.numpy as jnp
import numpy as np


def setup_inputs(seed: int = 0) -> dict:
    key = jax.random.key(seed)
    k1, k2 = jax.random.split(key)
    # Episodic memory buffer at full capacity: L_e=32 slots, each a frame of
    # 729 SigLIP patch tokens (27x27) with feature_dim=1152.
    mem = jax.random.normal(k1, (32, 729, 1152), dtype=jnp.float32)
    # Incoming frame features H_t [N, D]
    H_t = jax.random.normal(k2, (729, 1152), dtype=jnp.float32)
    return {"mem": mem, "H_t": H_t}


def reference(mem, H_t):
    # Faithful translation of EpisodicMemory.update() on a full buffer
    # (Algorithm 1 lines 15-24 of VLM^2): compute cosine similarity between
    # H_t and every stored memory element (both flattened), find the most
    # similar slot, and overwrite it with a detached copy of H_t.
    L_e = mem.shape[0]
    # torch does H_t.detach().clone() before storage/similarity
    h = jax.lax.stop_gradient(H_t)
    h_flat = h.reshape(-1)
    mem_flat = mem.reshape(L_e, -1)
    # _compute_similarity: normalize each side with eps=1e-8, then dot
    h_norm = h_flat / (jnp.linalg.norm(h_flat) + 1e-08)
    mem_norm = mem_flat / (jnp.linalg.norm(mem_flat, axis=1, keepdims=True) + 1e-08)
    sims = mem_norm @ h_norm  # [L_e]
    # torch uses .item() + python max -> index selection is non-differentiable
    max_sim_idx = jnp.argmax(jax.lax.stop_gradient(sims))
    # scatter-overwrite: buffer[max_sim_idx] = H_t_storage
    new_mem = mem.at[max_sim_idx].set(h)
    return new_mem

if __name__ == "__main__":
    import jax
    _d = setup_inputs()
    print(jax.jit(kernel)(*tuple(_d.values())))

</pallas_src>

<mosaic_0001>
#map = affine_map<(d0, d1) -> (0)>
module attributes {stable_mosaic.version = 14 : i64} {
  func.func @_sc_argmax(%arg0: i32, %arg1: i32, %arg2: memref<32xf32, #tpu.memory_space<hbm>>, %arg3: memref<16xi32, #tpu.memory_space<hbm>>, %arg4: memref<32xf32, #tpu.memory_space<vmem>>, %arg5: memref<16xi32, #tpu.memory_space<vmem>>) attributes {dimension_semantics = [#tpu.dimension_semantics<core_parallel>, #tpu.dimension_semantics<subcore_parallel>], iteration_bounds = array<i64: 2, 16>, scalar_prefetch = 0 : i64, scratch_operands = 2 : i64, tpu.core_type = #tpu.core_type<sc_vector_subcore>, window_params = [{transform_indices = #map}, {transform_indices = #map}]} {
    %mul3A = arith.constant 2 : i32
    %mul3A_0 = arith.muli %arg1, %mul3A : i32
    %add3A = arith.addi %mul3A_0, %arg0 : i32
    %eq3A = arith.constant 0 : i32
    %eq3A_1 = arith.cmpi eq, %add3A, %eq3A : i32
    %convert_element_type3A = arith.extui %eq3A_1 : i1 to i32
    %cond3A = arith.constant 0 : i32
    %cond3A_2 = arith.cmpi ne, %convert_element_type3A, %cond3A : i32
    scf.if %cond3A_2 {
      "tpu.region"() ({
        %run_scoped3A = tpu.sem_alloc : memref<!tpu.dma_semaphore, #tpu.memory_space<semaphore_mem>>
        tpu.enqueue_dma source(%arg2 : memref<32xf32, #tpu.memory_space<hbm>>) target(%arg4 : memref<32xf32, #tpu.memory_space<vmem>>) target_semaphore(%run_scoped3A : memref<!tpu.dma_semaphore, #tpu.memory_space<semaphore_mem>>)
        tpu.wait_dma2 semaphore(%run_scoped3A : memref<!tpu.dma_semaphore, #tpu.memory_space<semaphore_mem>>) src(%arg2 : memref<32xf32, #tpu.memory_space<hbm>>) dst(%arg4 : memref<32xf32, #tpu.memory_space<vmem>>)
        tpu.yield
      }) : () -> ()
      %get3A = arith.constant 0 : index
      %get3A_3 = tpu.vector_load %arg4[%get3A] {strides = array<i32>} : memref<32xf32, #tpu.memory_space<vmem>>, vector<16xf32>,
      %get3A_4 = vector.shape_cast %get3A_3 : vector<16xf32> to vector<16xf32>
      %get3A_5 = arith.constant 16 : index
      %get3A_6 = tpu.vector_load %arg4[%get3A_5] {strides = array<i32>} : memref<32xf32, #tpu.memory_space<vmem>>, vector<16xf32>,
      %get3A_7 = vector.shape_cast %get3A_6 : vector<16xf32> to vector<16xf32>
      %slice3A = vector.extract_strided_slice %get3A_4 {offsets = [0], sizes = [1], strides = [1]} : vector<16xf32> to vector<1xf32>
      %squeeze3A = vector.extract %slice3A[0] : f32 from vector<1xf32>
      %slice3A_8 = vector.extract_strided_slice %get3A_4 {offsets = [1], sizes = [1], strides = [1]} : vector<16xf32> to vector<1xf32>
      %squeeze3A_9 = vector.extract %slice3A_8[0] : f32 from vector<1xf32>
      %slice3A_10 = vector.extract_strided_slice %get3A_4 {offsets = [2], sizes = [1], strides = [1]} : vector<16xf32> to vector<1xf32>
      %squeeze3A_11 = vector.extract %slice3A_10[0] : f32 from vector<1xf32>
      %slice3A_12 = vector.extract_strided_slice %get3A_4 {offsets = [3], sizes = [1], strides = [1]} : vector<16xf32> to vector<1xf32>
      %squeeze3A_13 = vector.extract %slice3A_12[0] : f32 from vector<1xf32>
      %slice3A_14 = vector.extract_strided_slice %get3A_4 {offsets = [4], sizes = [1], strides = [1]} : vector<16xf32> to vector<1xf32>
      %squeeze3A_15 = vector.extract %slice3A_14[0] : f32 from vector<1xf32>
      %slice3A_16 = vector.extract_strided_slice %get3A_4 {offsets = [5], sizes = [1], strides = [1]} : vector<16xf32> to vector<1xf32>
      %squeeze3A_17 = vector.extract %slice3A_16[0] : f32 from vector<1xf32>
      %slice3A_18 = vector.extract_strided_slice %get3A_4 {offsets = [6], sizes = [1], strides = [1]} : vector<16xf32> to vector<1xf32>
      %squeeze3A_19 = vector.extract %slice3A_18[0] : f32 from vector<1xf32>
      %slice3A_20 = vector.extract_strided_slice %get3A_4 {offsets = [7], sizes = [1], strides = [1]} : vector<16xf32> to vector<1xf32>
      %squeeze3A_21 = vector.extract %slice3A_20[0] : f32 from vector<1xf32>
      %slice3A_22 = vector.extract_strided_slice %get3A_4 {offsets = [8], sizes = [1], strides = [1]} : vector<16xf32> to vector<1xf32>
      %squeeze3A_23 = vector.extract %slice3A_22[0] : f32 from vector<1xf32>
      %slice3A_24 = vector.extract_strided_slice %get3A_4 {offsets = [9], sizes = [1], strides = [1]} : vector<16xf32> to vector<1xf32>
      %squeeze3A_25 = vector.extract %slice3A_24[0] : f32 from vector<1xf32>
      %slice3A_26 = vector.extract_strided_slice %get3A_4 {offsets = [10], sizes = [1], strides = [1]} : vector<16xf32> to vector<1xf32>
      %squeeze3A_27 = vector.extract %slice3A_26[0] : f32 from vector<1xf32>
      %slice3A_28 = vector.extract_strided_slice %get3A_4 {offsets = [11], sizes = [1], strides = [1]} : vector<16xf32> to vector<1xf32>
      %squeeze3A_29 = vector.extract %slice3A_28[0] : f32 from vector<1xf32>
      %slice3A_30 = vector.extract_strided_slice %get3A_4 {offsets = [12], sizes = [1], strides = [1]} : vector<16xf32> to vector<1xf32>
      %squeeze3A_31 = vector.extract %slice3A_30[0] : f32 from vector<1xf32>
      %slice3A_32 = vector.extract_strided_slice %get3A_4 {offsets = [13], sizes = [1], strides = [1]} : vector<16xf32> to vector<1xf32>
      %squeeze3A_33 = vector.extract %slice3A_32[0] : f32 from vector<1xf32>
      %slice3A_34 = vector.extract_strided_slice %get3A_4 {offsets = [14], sizes = [1], strides = [1]} : vector<16xf32> to vector<1xf32>
      %squeeze3A_35 = vector.extract %slice3A_34[0] : f32 from vector<1xf32>
      %slice3A_36 = vector.extract_strided_slice %get3A_4 {offsets = [15], sizes = [1], strides = [1]} : vector<16xf32> to vector<1xf32>
      %squeeze3A_37 = vector.extract %slice3A_36[0] : f32 from vector<1xf32>
      %slice3A_38 = vector.extract_strided_slice %get3A_7 {offsets = [0], sizes = [1], strides = [1]} : vector<16xf32> to vector<1xf32>
      %squeeze3A_39 = vector.extract %slice3A_38[0] : f32 from vector<1xf32>
      %slice3A_40 = vector.extract_strided_slice %get3A_7 {offsets = [1], sizes = [1], strides = [1]} : vector<16xf32> to vector<1xf32>
      %squeeze3A_41 = vector.extract %slice3A_40[0] : f32 from vector<1xf32>
      %slice3A_42 = vector.extract_strided_slice %get3A_7 {offsets = [2], sizes = [1], strides = [1]} : vector<16xf32> to vector<1xf32>
      %squeeze3A_43 = vector.extract %slice3A_42[0] : f32 from vector<1xf32>
      %slice3A_44 = vector.extract_strided_slice %get3A_7 {offsets = [3], sizes = [1], strides = [1]} : vector<16xf32> to vector<1xf32>
      %squeeze3A_45 = vector.extract %slice3A_44[0] : f32 from vector<1xf32>
      %slice3A_46 = vector.extract_strided_slice %get3A_7 {offsets = [4], sizes = [1], strides = [1]} : vector<16xf32> to vector<1xf32>
      %squeeze3A_47 = vector.extract %slice3A_46[0] : f32 from vector<1xf32>
      %slice3A_48 = vector.extract_strided_slice %get3A_7 {offsets = [5], sizes = [1], strides = [1]} : vector<16xf32> to vector<1xf32>
      %squeeze3A_49 = vector.extract %slice3A_48[0] : f32 from vector<1xf32>
      %slice3A_50 = vector.extract_strided_slice %get3A_7 {offsets = [6], sizes = [1], strides = [1]} : vector<16xf32> to vector<1xf32>
      %squeeze3A_51 = vector.extract %slice3A_50[0] : f32 from vector<1xf32>
      %slice3A_52 = vector.extract_strided_slice %get3A_7 {offsets = [7], sizes = [1], strides = [1]} : vector<16xf32> to vector<1xf32>
      %squeeze3A_53 = vector.extract %slice3A_52[0] : f32 from vector<1xf32>
      %slice3A_54 = vector.extract_strided_slice %get3A_7 {offsets = [8], sizes = [1], strides = [1]} : vector<16xf32> to vector<1xf32>
      %squeeze3A_55 = vector.extract %slice3A_54[0] : f32 from vector<1xf32>
      %slice3A_56 = vector.extract_strided_slice %get3A_7 {offsets = [9], sizes = [1], strides = [1]} : vector<16xf32> to vector<1xf32>
      %squeeze3A_57 = vector.extract %slice3A_56[0] : f32 from vector<1xf32>
      %slice3A_58 = vector.extract_strided_slice %get3A_7 {offsets = [10], sizes = [1], strides = [1]} : vector<16xf32> to vector<1xf32>
      %squeeze3A_59 = vector.extract %slice3A_58[0] : f32 from vector<1xf32>
      %slice3A_60 = vector.extract_strided_slice %get3A_7 {offsets = [11], sizes = [1], strides = [1]} : vector<16xf32> to vector<1xf32>
      %squeeze3A_61 = vector.extract %slice3A_60[0] : f32 from vector<1xf32>
      %slice3A_62 = vector.extract_strided_slice %get3A_7 {offsets = [12], sizes = [1], strides = [1]} : vector<16xf32> to vector<1xf32>
      %squeeze3A_63 = vector.extract %slice3A_62[0] : f32 from vector<1xf32>
      %slice3A_64 = vector.extract_strided_slice %get3A_7 {offsets = [13], sizes = [1], strides = [1]} : vector<16xf32> to vector<1xf32>
      %squeeze3A_65 = vector.extract %slice3A_64[0] : f32 from vector<1xf32>
      %slice3A_66 = vector.extract_strided_slice %get3A_7 {offsets = [14], sizes = [1], strides = [1]} : vector<16xf32> to vector<1xf32>
      %squeeze3A_67 = vector.extract %slice3A_66[0] : f32 from vector<1xf32>
      %slice3A_68 = vector.extract_strided_slice %get3A_7 {offsets = [15], sizes = [1], strides = [1]} : vector<16xf32> to vector<1xf32>
      %squeeze3A_69 = vector.extract %slice3A_68[0] : f32 from vector<1xf32>
      %gt3A = arith.cmpf ogt, %squeeze3A_9, %squeeze3A : f32
      %select_n3A = arith.select %gt3A, %squeeze3A_9, %squeeze3A : f32
      %jit3A = arith.constant 1 : i32
      %jit3A_70 = arith.constant 0 : i32
      %select_n3A_71 = arith.select %gt3A, %jit3A, %jit3A_70 : i32
      %gt3A_72 = arith.cmpf ogt, %squeeze3A_11, %select_n3A : f32
      %select_n3A_73 = arith.select %gt3A_72, %squeeze3A_11, %select_n3A : f32
      %jit3A_74 = arith.constant 2 : i32
      %select_n3A_75 = arith.select %gt3A_72, %jit3A_74, %select_n3A_71 : i32
      %gt3A_76 = arith.cmpf ogt, %squeeze3A_13, %select_n3A_73 : f32
      %select_n3A_77 = arith.select %gt3A_76, %squeeze3A_13, %select_n3A_73 : f32
      %jit3A_78 = arith.constant 3 : i32
      %select_n3A_79 = arith.select %gt3A_76, %jit3A_78, %select_n3A_75 : i32
      %gt3A_80 = arith.cmpf ogt, %squeeze3A_15, %select_n3A_77 : f32
      %select_n3A_81 = arith.select %gt3A_80, %squeeze3A_15, %select_n3A_77 : f32
      %jit3A_82 = arith.constant 4 : i32
      %select_n3A_83 = arith.select %gt3A_80, %jit3A_82, %select_n3A_79 : i32
      %gt3A_84 = arith.cmpf ogt, %squeeze3A_17, %select_n3A_81 : f32
      %select_n3A_85 = arith.select %gt3A_84, %squeeze3A_17, %select_n3A_81 : f32
      %jit3A_86 = arith.constant 5 : i32
      %select_n3A_87 = arith.select %gt3A_84, %jit3A_86, %select_n3A_83 : i32
      %gt3A_88 = arith.cmpf ogt, %squeeze3A_19, %select_n3A_85 : f32
      %select_n3A_89 = arith.select %gt3A_88, %squeeze3A_19, %select_n3A_85 : f32
      %jit3A_90 = arith.constant 6 : i32
      %select_n3A_91 = arith.select %gt3A_88, %jit3A_90, %select_n3A_87 : i32
      %gt3A_92 = arith.cmpf ogt, %squeeze3A_21, %select_n3A_89 : f32
      %select_n3A_93 = arith.select %gt3A_92, %squeeze3A_21, %select_n3A_89 : f32
      %jit3A_94 = arith.constant 7 : i32
      %select_n3A_95 = arith.select %gt3A_92, %jit3A_94, %select_n3A_91 : i32
      %gt3A_96 = arith.cmpf ogt, %squeeze3A_23, %select_n3A_93 : f32
      %select_n3A_97 = arith.select %gt3A_96, %squeeze3A_23, %select_n3A_93 : f32
      %jit3A_98 = arith.constant 8 : i32
      %select_n3A_99 = arith.select %gt3A_96, %jit3A_98, %select_n3A_95 : i32
      %gt3A_100 = arith.cmpf ogt, %squeeze3A_25, %select_n3A_97 : f32
      %select_n3A_101 = arith.select %gt3A_100, %squeeze3A_25, %select_n3A_97 : f32
      %jit3A_102 = arith.constant 9 : i32
      %select_n3A_103 = arith.select %gt3A_100, %jit3A_102, %select_n3A_99 : i32
      %gt3A_104 = arith.cmpf ogt, %squeeze3A_27, %select_n3A_101 : f32
      %select_n3A_105 = arith.select %gt3A_104, %squeeze3A_27, %select_n3A_101 : f32
      %jit3A_106 = arith.constant 10 : i32
      %select_n3A_107 = arith.select %gt3A_104, %jit3A_106, %select_n3A_103 : i32
      %gt3A_108 = arith.cmpf ogt, %squeeze3A_29, %select_n3A_105 : f32
      %select_n3A_109 = arith.select %gt3A_108, %squeeze3A_29, %select_n3A_105 : f32
      %jit3A_110 = arith.constant 11 : i32
      %select_n3A_111 = arith.select %gt3A_108, %jit3A_110, %select_n3A_107 : i32
      %gt3A_112 = arith.cmpf ogt, %squeeze3A_31, %select_n3A_109 : f32
      %select_n3A_113 = arith.select %gt3A_112, %squeeze3A_31, %select_n3A_109 : f32
      %jit3A_114 = arith.constant 12 : i32
      %select_n3A_115 = arith.select %gt3A_112, %jit3A_114, %select_n3A_111 : i32
      %gt3A_116 = arith.cmpf ogt, %squeeze3A_33, %select_n3A_113 : f32
      %select_n3A_117 = arith.select %gt3A_116, %squeeze3A_33, %select_n3A_113 : f32
      %jit3A_118 = arith.constant 13 : i32
      %select_n3A_119 = arith.select %gt3A_116, %jit3A_118, %select_n3A_115 : i32
      %gt3A_120 = arith.cmpf ogt, %squeeze3A_35, %select_n3A_117 : f32
      %select_n3A_121 = arith.select %gt3A_120, %squeeze3A_35, %select_n3A_117 : f32
      %jit3A_122 = arith.constant 14 : i32
      %select_n3A_123 = arith.select %gt3A_120, %jit3A_122, %select_n3A_119 : i32
      %gt3A_124 = arith.cmpf ogt, %squeeze3A_37, %select_n3A_121 : f32
      %select_n3A_125 = arith.select %gt3A_124, %squeeze3A_37, %select_n3A_121 : f32
      %jit3A_126 = arith.constant 15 : i32
      %select_n3A_127 = arith.select %gt3A_124, %jit3A_126, %select_n3A_123 : i32
      %gt3A_128 = arith.cmpf ogt, %squeeze3A_39, %select_n3A_125 : f32
      %select_n3A_129 = arith.select %gt3A_128, %squeeze3A_39, %select_n3A_125 : f32
      %jit3A_130 = arith.constant 16 : i32
      %select_n3A_131 = arith.select %gt3A_128, %jit3A_130, %select_n3A_127 : i32
      %gt3A_132 = arith.cmpf ogt, %squeeze3A_41, %select_n3A_129 : f32
      %select_n3A_133 = arith.select %gt3A_132, %squeeze3A_41, %select_n3A_129 : f32
      %jit3A_134 = arith.constant 17 : i32
      %select_n3A_135 = arith.select %gt3A_132, %jit3A_134, %select_n3A_131 : i32
      %gt3A_136 = arith.cmpf ogt, %squeeze3A_43, %select_n3A_133 : f32
      %select_n3A_137 = arith.select %gt3A_136, %squeeze3A_43, %select_n3A_133 : f32
      %jit3A_138 = arith.constant 18 : i32
      %select_n3A_139 = arith.select %gt3A_136, %jit3A_138, %select_n3A_135 : i32
      %gt3A_140 = arith.cmpf ogt, %squeeze3A_45, %select_n3A_137 : f32
      %select_n3A_141 = arith.select %gt3A_140, %squeeze3A_45, %select_n3A_137 : f32
      %jit3A_142 = arith.constant 19 : i32
      %select_n3A_143 = arith.select %gt3A_140, %jit3A_142, %select_n3A_139 : i32
      %gt3A_144 = arith.cmpf ogt, %squeeze3A_47, %select_n3A_141 : f32
      %select_n3A_145 = arith.select %gt3A_144, %squeeze3A_47, %select_n3A_141 : f32
      %jit3A_146 = arith.constant 20 : i32
      %select_n3A_147 = arith.select %gt3A_144, %jit3A_146, %select_n3A_143 : i32
      %gt3A_148 = arith.cmpf ogt, %squeeze3A_49, %select_n3A_145 : f32
      %select_n3A_149 = arith.select %gt3A_148, %squeeze3A_49, %select_n3A_145 : f32
      %jit3A_150 = arith.constant 21 : i32
      %select_n3A_151 = arith.select %gt3A_148, %jit3A_150, %select_n3A_147 : i32
      %gt3A_152 = arith.cmpf ogt, %squeeze3A_51, %select_n3A_149 : f32
      %select_n3A_153 = arith.select %gt3A_152, %squeeze3A_51, %select_n3A_149 : f32
      %jit3A_154 = arith.constant 22 : i32
      %select_n3A_155 = arith.select %gt3A_152, %jit3A_154, %select_n3A_151 : i32
      %gt3A_156 = arith.cmpf ogt, %squeeze3A_53, %select_n3A_153 : f32
      %select_n3A_157 = arith.select %gt3A_156, %squeeze3A_53, %select_n3A_153 : f32
      %jit3A_158 = arith.constant 23 : i32
      %select_n3A_159 = arith.select %gt3A_156, %jit3A_158, %select_n3A_155 : i32
      %gt3A_160 = arith.cmpf ogt, %squeeze3A_55, %select_n3A_157 : f32
      %select_n3A_161 = arith.select %gt3A_160, %squeeze3A_55, %select_n3A_157 : f32
      %jit3A_162 = arith.constant 24 : i32
      %select_n3A_163 = arith.select %gt3A_160, %jit3A_162, %select_n3A_159 : i32
      %gt3A_164 = arith.cmpf ogt, %squeeze3A_57, %select_n3A_161 : f32
      %select_n3A_165 = arith.select %gt3A_164, %squeeze3A_57, %select_n3A_161 : f32
      %jit3A_166 = arith.constant 25 : i32
      %select_n3A_167 = arith.select %gt3A_164, %jit3A_166, %select_n3A_163 : i32
      %gt3A_168 = arith.cmpf ogt, %squeeze3A_59, %select_n3A_165 : f32
      %select_n3A_169 = arith.select %gt3A_168, %squeeze3A_59, %select_n3A_165 : f32
      %jit3A_170 = arith.constant 26 : i32
      %select_n3A_171 = arith.select %gt3A_168, %jit3A_170, %select_n3A_167 : i32
      %gt3A_172 = arith.cmpf ogt, %squeeze3A_61, %select_n3A_169 : f32
      %select_n3A_173 = arith.select %gt3A_172, %squeeze3A_61, %select_n3A_169 : f32
      %jit3A_174 = arith.constant 27 : i32
      %select_n3A_175 = arith.select %gt3A_172, %jit3A_174, %select_n3A_171 : i32
      %gt3A_176 = arith.cmpf ogt, %squeeze3A_63, %select_n3A_173 : f32
      %select_n3A_177 = arith.select %gt3A_176, %squeeze3A_63, %select_n3A_173 : f32
      %jit3A_178 = arith.constant 28 : i32
      %select_n3A_179 = arith.select %gt3A_176, %jit3A_178, %select_n3A_175 : i32
      %gt3A_180 = arith.cmpf ogt, %squeeze3A_65, %select_n3A_177 : f32
      %select_n3A_181 = arith.select %gt3A_180, %squeeze3A_65, %select_n3A_177 : f32
      %jit3A_182 = arith.constant 29 : i32
      %select_n3A_183 = arith.select %gt3A_180, %jit3A_182, %select_n3A_179 : i32
      %gt3A_184 = arith.cmpf ogt, %squeeze3A_67, %select_n3A_181 : f32
      %select_n3A_185 = arith.select %gt3A_184, %squeeze3A_67, %select_n3A_181 : f32
      %jit3A_186 = arith.constant 30 : i32
      %select_n3A_187 = arith.select %gt3A_184, %jit3A_186, %select_n3A_183 : i32
      %gt3A_188 = arith.cmpf ogt, %squeeze3A_69, %select_n3A_185 : f32
      %select_n3A_189 = arith.select %gt3A_188, %squeeze3A_69, %select_n3A_185 : f32
      %jit3A_190 = arith.constant 31 : i32
      %select_n3A_191 = arith.select %gt3A_188, %jit3A_190, %select_n3A_187 : i32
      %broadcast_in_dim3A = vector.broadcast %select_n3A_191 : i32 to vector<16xi32>
      %swap3A = arith.constant 0 : index
      %swap3A_192 = tpu.vector_load %arg5[%swap3A] {strides = array<i32>} : memref<16xi32, #tpu.memory_space<vmem>>, vector<16xi32>,
      %swap3A_193 = vector.shape_cast %swap3A_192 : vector<16xi32> to vector<16xi32>
      %swap3A_194 = vector.shape_cast %broadcast_in_dim3A : vector<16xi32> to vector<16xi32>
      tpu.vector_store %arg5[%swap3A], %swap3A_194 {strides = array<i32>} : memref<16xi32, #tpu.memory_space<vmem>>, vector<16xi32>,
      "tpu.region"() ({
        %run_scoped3A = tpu.sem_alloc : memref<!tpu.dma_semaphore, #tpu.memory_space<semaphore_mem>>
        tpu.enqueue_dma source(%arg5 : memref<16xi32, #tpu.memory_space<vmem>>) target(%arg3 : memref<16xi32, #tpu.memory_space<hbm>>) target_semaphore(%run_scoped3A : memref<!tpu.dma_semaphore, #tpu.memory_space<semaphore_mem>>)
        tpu.wait_dma2 semaphore(%run_scoped3A : memref<!tpu.dma_semaphore, #tpu.memory_space<semaphore_mem>>) src(%arg5 : memref<16xi32, #tpu.memory_space<vmem>>) dst(%arg3 : memref<16xi32, #tpu.memory_space<hbm>>)
        tpu.yield
      }) : () -> ()
    } else {
    }
    return
  }
}

module attributes {stable_mosaic.version = 14 : i64} {
  func.func @_scatter_body(%arg0: memref<16xi32, #tpu.memory_space<smem>>, %arg1: memref<729x32x1152xf32, #tpu.memory_space<any>>, %arg2: memref<729x1152xf32, #tpu.memory_space<vmem>>, %arg3: memref<729x32x1152xf32, #tpu.memory_space<any>>, %arg4: memref<!tpu.dma_semaphore, #tpu.memory_space<semaphore_mem>>) attributes {dimension_semantics = [], scalar_prefetch = 0 : i64, scratch_operands = 1 : i64, tpu.core_type = #tpu.core_type<tc>} {
    %get3A = arith.constant 0 : index
    %get3A_0 = memref.load %arg0[%get3A] : memref<16xi32, #tpu.memory_space<smem>>
    %dma_start3A = arith.constant 0 : i32
    %dma_start3A_1 = arith.constant 0 : i32
    %dma_start3A_2 = tpu.memref_slice %arg3[%dma_start3A, %get3A_0, %dma_start3A_1] : memref<729x32x1152xf32, #tpu.memory_space<any>> -> memref<729x1x1152xf32, #tpu.memory_space<any>>
    %dma_start3A_3 = tpu.memref_squeeze %dma_start3A_2 : memref<729x1x1152xf32, #tpu.memory_space<any>> -> memref<729x1152xf32, #tpu.memory_space<any>>
    tpu.enqueue_dma source(%arg2 : memref<729x1152xf32, #tpu.memory_space<vmem>>) target(%dma_start3A_3 : memref<729x1152xf32, #tpu.memory_space<any>>) target_semaphore(%arg4 : memref<!tpu.dma_semaphore, #tpu.memory_space<semaphore_mem>>)
    %dma_wait3A = arith.constant 0 : i32
    %dma_wait3A_4 = arith.constant 0 : i32
    %dma_wait3A_5 = tpu.memref_slice %arg3[%dma_wait3A, %get3A_0, %dma_wait3A_4] : memref<729x32x1152xf32, #tpu.memory_space<any>> -> memref<729x1x1152xf32, #tpu.memory_space<any>>
    %dma_wait3A_6 = tpu.memref_squeeze %dma_wait3A_5 : memref<729x1x1152xf32, #tpu.memory_space<any>> -> memref<729x1152xf32, #tpu.memory_space<any>>
    tpu.wait_dma2 semaphore(%arg4 : memref<!tpu.dma_semaphore, #tpu.memory_space<semaphore_mem>>) src(%arg2 : memref<729x1152xf32, #tpu.memory_space<vmem>>) dst(%dma_wait3A_6 : memref<729x1152xf32, #tpu.memory_space<any>>)
    return
  }
}

module attributes {stable_mosaic.version = 14 : i64} {
  func.func @_copy_stats_body(%arg0: i32, %arg1: memref<27x1x1152xf32, #tpu.memory_space<vmem>>, %arg2: memref<27x32x1152xf32, #tpu.memory_space<vmem>>, %arg3: memref<27x32x1152xf32, #tpu.memory_space<vmem>>, %arg4: memref<32xf32, #tpu.memory_space<vmem>>, %arg5: memref<32x1152xf32, #tpu.memory_space<vmem>>, %arg6: memref<32x1152xf32, #tpu.memory_space<vmem>>) attributes {dimension_semantics = [#tpu.dimension_semantics<arbitrary>], iteration_bounds = array<i64: 27>, scalar_prefetch = 0 : i64, scratch_operands = 2 : i64, tpu.core_type = #tpu.core_type<tc>, window_params = [{transform_indices = @transform_0, window_bounds = array<i64: 27, 1, 1152>}, {transform_indices = @transform_1, window_bounds = array<i64: 27, 32, 1152>}, {transform_indices = @transform_2, window_bounds = array<i64: 27, 32, 1152>}, {pipeline_mode = #tpu.pipeline_mode<synchronous>, transform_indices = @transform_3, window_bounds = array<i64: 32>}]} {
    %get3A = arith.constant 0 : index
    %get3A_0 = arith.constant 0 : index
    %get3A_1 = arith.constant 0 : index
    %get3A_2 = vector.load %arg2[%get3A, %get3A_0, %get3A_1] : memref<27x32x1152xf32, #tpu.memory_space<vmem>>, vector<27x32x1152xf32>
    %swap3A = arith.constant 0 : index
    %swap3A_3 = arith.constant 0 : index
    %swap3A_4 = arith.constant 0 : index
    %swap3A_5 = vector.load %arg3[%swap3A, %swap3A_3, %swap3A_4] : memref<27x32x1152xf32, #tpu.memory_space<vmem>>, vector<27x32x1152xf32>
    tpu.vector_store %arg3[%swap3A, %swap3A_3, %swap3A_4], %get3A_2 {strides = array<i32>} : memref<27x32x1152xf32, #tpu.memory_space<vmem>>, vector<27x32x1152xf32>,
    %get3A_6 = arith.constant 0 : index
    %get3A_7 = arith.constant 0 : index
    %get3A_8 = arith.constant 0 : index
    %get3A_9 = vector.load %arg1[%get3A_6, %get3A_7, %get3A_8] : memref<27x1x1152xf32, #tpu.memory_space<vmem>>, vector<27x1x1152xf32>
    %eq3A = arith.constant 0 : i32
    %eq3A_10 = arith.cmpi eq, %arg0, %eq3A : i32
    %convert_element_type3A = arith.extui %eq3A_10 : i1 to i32
    %cond3A = arith.constant 0 : i32
    %cond3A_11 = arith.cmpi ne, %convert_element_type3A, %cond3A : i32
    scf.if %cond3A_11 {
      %broadcast_in_dim3A = arith.constant 0.000000e+00 : f32
      %broadcast_in_dim3A_35 = vector.broadcast %broadcast_in_dim3A : f32 to vector<32x1152xf32>
      %swap3A_36 = arith.constant 0 : index
      %swap3A_37 = arith.constant 0 : index
      %swap3A_38 = vector.load %arg5[%swap3A_36, %swap3A_37] : memref<32x1152xf32, #tpu.memory_space<vmem>>, vector<32x1152xf32>
      tpu.vector_store %arg5[%swap3A_36, %swap3A_37], %broadcast_in_dim3A_35 {strides = array<i32>} : memref<32x1152xf32, #tpu.memory_space<vmem>>, vector<32x1152xf32>,
      %broadcast_in_dim3A_39 = arith.constant 0.000000e+00 : f32
      %broadcast_in_dim3A_40 = vector.broadcast %broadcast_in_dim3A_39 : f32 to vector<32x1152xf32>
      %swap3A_41 = arith.constant 0 : index
      %swap3A_42 = arith.constant 0 : index
      %swap3A_43 = vector.load %arg6[%swap3A_41, %swap3A_42] : memref<32x1152xf32, #tpu.memory_space<vmem>>, vector<32x1152xf32>
      tpu.vector_store %arg6[%swap3A_41, %swap3A_42], %broadcast_in_dim3A_40 {strides = array<i32>} : memref<32x1152xf32, #tpu.memory_space<vmem>>, vector<32x1152xf32>,
    } else {
    }
    %get3A_12 = arith.constant 0 : index
    %get3A_13 = arith.constant 0 : index
    %get3A_14 = vector.load %arg5[%get3A_12, %get3A_13] : memref<32x1152xf32, #tpu.memory_space<vmem>>, vector<32x1152xf32>
    %mul3A = vector.broadcast %get3A_9 : vector<27x1x1152xf32> to vector<27x32x1152xf32>
    %mul3A_15 = arith.mulf %get3A_2, %mul3A : vector<27x32x1152xf32>
    %reduce_sum3A = arith.constant dense<0.000000e+00> : vector<32x1152xf32>
    %reduce_sum3A_16 = vector.multi_reduction <add>, %mul3A_15, %reduce_sum3A [0] : vector<27x32x1152xf32> to vector<32x1152xf32>
    %add3A = arith.addf %get3A_14, %reduce_sum3A_16 : vector<32x1152xf32>
    %swap3A_17 = arith.constant 0 : index
    %swap3A_18 = arith.constant 0 : index
    %swap3A_19 = vector.load %arg5[%swap3A_17, %swap3A_18] : memref<32x1152xf32, #tpu.memory_space<vmem>>, vector<32x1152xf32>
    tpu.vector_store %arg5[%swap3A_17, %swap3A_18], %add3A {strides = array<i32>} : memref<32x1152xf32, #tpu.memory_space<vmem>>, vector<32x1152xf32>,
    %get3A_20 = arith.constant 0 : index
    %get3A_21 = arith.constant 0 : index
    %get3A_22 = vector.load %arg6[%get3A_20, %get3A_21] : memref<32x1152xf32, #tpu.memory_space<vmem>>, vector<32x1152xf32>
    %mul3A_23 = arith.mulf %get3A_2, %get3A_2 : vector<27x32x1152xf32>
    %reduce_sum3A_24 = arith.constant dense<0.000000e+00> : vector<32x1152xf32>
    %reduce_sum3A_25 = vector.multi_reduction <add>, %mul3A_23, %reduce_sum3A_24 [0] : vector<27x32x1152xf32> to vector<32x1152xf32>
    %add3A_26 = arith.addf %get3A_22, %reduce_sum3A_25 : vector<32x1152xf32>
    %swap3A_27 = arith.constant 0 : index
    %swap3A_28 = arith.constant 0 : index
    %swap3A_29 = vector.load %arg6[%swap3A_27, %swap3A_28] : memref<32x1152xf32, #tpu.memory_space<vmem>>, vector<32x1152xf32>
    tpu.vector_store %arg6[%swap3A_27, %swap3A_28], %add3A_26 {strides = array<i32>} : memref<32x1152xf32, #tpu.memory_space<vmem>>, vector<32x1152xf32>,
    %eq3A_30 = arith.constant 26 : i32
    %eq3A_31 = arith.cmpi eq, %arg0, %eq3A_30 : i32
    %convert_element_type3A_32 = arith.extui %eq3A_31 : i1 to i32
    %cond3A_33 = arith.constant 0 : i32
    %cond3A_34 = arith.cmpi ne, %convert_element_type3A_32, %cond3A_33 : i32
    scf.if %cond3A_34 {
      %get3A_35 = arith.constant 0 : index
      %get3A_36 = arith.constant 0 : index
      %get3A_37 = vector.load %arg5[%get3A_35, %get3A_36] : memref<32x1152xf32, #tpu.memory_space<vmem>>, vector<32x1152xf32>
      %reduce_sum3A_38 = arith.constant dense<0.000000e+00> : vector<32xf32>
      %reduce_sum3A_39 = vector.multi_reduction <add>, %get3A_37, %reduce_sum3A_38 [1] : vector<32x1152xf32> to vector<32xf32>
      %get3A_40 = arith.constant 0 : index
      %get3A_41 = arith.constant 0 : index
      %get3A_42 = vector.load %arg6[%get3A_40, %get3A_41] : memref<32x1152xf32, #tpu.memory_space<vmem>>, vector<32x1152xf32>
      %reduce_sum3A_43 = arith.constant dense<0.000000e+00> : vector<32xf32>
      %reduce_sum3A_44 = vector.multi_reduction <add>, %get3A_42, %reduce_sum3A_43 [1] : vector<32x1152xf32> to vector<32xf32>
      %sqrt3A = math.sqrt %reduce_sum3A_44 : vector<32xf32>
      %add3A_45 = arith.constant 9.99999993E-9 : f32
      %add3A_46 = vector.broadcast %add3A_45 : f32 to vector<32xf32>
      %add3A_47 = arith.addf %sqrt3A, %add3A_46 : vector<32xf32>
      %div3A = arith.divf %reduce_sum3A_39, %add3A_47 : vector<32xf32>
      %swap3A_48 = arith.constant 0 : index
      %swap3A_49 = vector.load %arg4[%swap3A_48] : memref<32xf32, #tpu.memory_space<vmem>>, vector<32xf32>
      tpu.vector_store %arg4[%swap3A_48], %div3A {strides = array<i32>} : memref<32xf32, #tpu.memory_space<vmem>>, vector<32xf32>,
    } else {
    }
    return
  }
  func.func @transform_0(%arg0: i32) -> (i32, i32, i32) {
    %c0_i32 = arith.constant 0 : i32
    %c0_i32_0 = arith.constant 0 : i32
    %c0_i32_1 = arith.constant 0 : i32
    return %arg0, %c0_i32, %c0_i32_0 : i32, i32, i32
  }
  func.func @transform_1(%arg0: i32) -> (i32, i32, i32) {
    %c0_i32 = arith.constant 0 : i32
    %c0_i32_0 = arith.constant 0 : i32
    %c0_i32_1 = arith.constant 0 : i32
    return %arg0, %c0_i32, %c0_i32_0 : i32, i32, i32
  }
  func.func @transform_2(%arg0: i32) -> (i32, i32, i32) {
    %c0_i32 = arith.constant 0 : i32
    %c0_i32_0 = arith.constant 0 : i32
    %c0_i32_1 = arith.constant 0 : i32
    return %arg0, %c0_i32, %c0_i32_0 : i32, i32, i32
  }
  func.func @transform_3(%arg0: i32) -> i32 {
    %c0_i32 = arith.constant 0 : i32
    %c0_i32_0 = arith.constant 0 : i32
    return %c0_i32 : i32
  }
}

</mosaic_0001>

<sc_bundles>
// kernel: kernel.5.cloned.1.call-start
scs
__scs_entry_jumppad:
0x0: {  	(pc) =	sbr.rel $0x88, $3  }
0x1: {  	(tag) =	ssettag $0x0;
	lr =	simm.s32 $0x1  }
0x2: {  	[smem:$0x3F9F] =	sst lr;
	_ =	strace $0xD0000000  }
0x3: {  	_ = 	snop  }
0x4: {  	_ = 	snop  }
0x5: {  	_ = 	snop  }
0x6: {  	_ = 	snop  }
0x7: {  	_ = 	snop  }
__scs_overlays_trampoline_lowered:
0x8: {  	[smem:$0x3FAE] =	sst s0  }
0x9: {  	[smem:$0x3FAF] =	sst s1  }
0xa: {  	[smem:$0x3FB0] =	sst s2  }
0xb: {  	[smem:$0x3FB1] =	sst s3  }
0xc: {  	[smem:$0x3FB2] =	sst s4  }
0xd: {  	[smem:$0x3FB3] =	sst s5  }
0xe: {  	[smem:$0x3FB4] =	sst s6  }
0xf: {  	[smem:$0x3FB5] =	sst s7  }
0x10: {  	[smem:$0x3FB6] =	sst s8  }
0x11: {  	[smem:$0x3FB7] =	sst s9;
	s0 =	simm.s32 @!p0 $0x0  }
0x12: {  	s1 =	sld [smem:$0x3F9D];
	s0 =	simm.s32 @p0 $0x1  }
0x13: {  	[smem:$0x3FB8] =	sst s0;
	s0 =	simm.s32 @!p1 $0x0  }
0x14: {  	s2 =	sld [smem:$0x3F9C];
	s0 =	simm.s32 @p1 $0x1  }
0x15: {  	[smem:$0x3FB9] =	sst s0;
	s0 =	simm.s32 @!p2 $0x0  }
0x16: {  	s3 =	sld [smem:$0x3FDB];
	s0 =	simm.s32 @p2 $0x1  }
0x17: {  	s4 =	simm.s32 $0x1BF5;
	[smem:$0x3FBB] =	sst s0  }
0x18: {  	s0 =	sld [smem:$0x3F9E];
	_ =	swait.ge [sflag:s4], $0x0  }
0x19: {  	s7 =	sld [smem:$0x3F9F]  }
0x1a: {  	s8 =	sadd.s32 $0xFFFFE003, lr  }
0x1b: {  	s9 =	sadd.s32 $0xFFFFFEF7, lr;
	s5 =	simm.s32 $0xFFFFFFFF;
	p2 =	slt.u32 s8, $0xFFFFF086  }
0x1c: {  	p1 =	slt.u32 s9, $0xF7A;
	s5 =	simm.s32 @!p2 $0x0  }
0x1d: {  	s5 =	simm.s32 @p1 $0x1;
	p0 =	seq.s32 s7, s2  }
0x1e: {  	s7 =	smul.u32 @!p0 $0xF7A, s2;
	p2 =	seq.s32 @!p0 s5, $0x0  }
0x1f: {  	s9 =	smul.u32 $0xF7A, s1;
	s8 =	simm.s32 @!p0 $0x1BF5;
	p2 =	por !p2, p0  }
0x20: {  	[sflag:s8] =	ssyncset.s32 @!p0 $0xFFFFF086;
	s6 =	sadd.s32 @!p0 s3, s7;
	s7 =	simm.s32 @!p0 $0x108  }
0x21: {  	s3 =	sadd.s32 s3, s9;
	s6 =	sadd.s32 @!p0 $0x88, s6;
	s7 =	simm.s32 @p2 $0x1082  }
0x22: {  	[simem:s7], [sflag:s8] =	dma.local @!p0 [hbm:s6], $0xF7A  }
0x23: {  	s9 =	sor.u32 $0xD0000000, s2;
	s6 =	simm.s32 $0x108;
	_ =	swait.ge @!p0 [sflag:s8], $0x0  }
0x24: {  	s3 =	sadd.s32 $0x88, s3;
	s6 =	simm.s32 @!p1 $0x1082;
	[sflag:s4] =	ssyncset.s32 $0xFFFFF086  }
0x25: {  	[simem:s6], [sflag:s4] =	dma.local [hbm:s3], $0xF7A  }
0x26: {  	[smem:$0x3F9F] =	sst s1;
	(tag) =	ssettag s2;
	_ =	strace s9  }
0x27: {  	s1 =	sld [smem:$0x3FAF]  }
0x28: {  	s2 =	sld [smem:$0x3FB0]  }
0x29: {  	s4 =	sld [smem:$0x3FB2]  }
0x2a: {  	p0 =	seq.s32 s5, $0x0;
	s5 =	sld [smem:$0x3FB3]  }
0x2b: {  	s6 =	sld [smem:$0x3FB4]  }
0x2c: {  	s7 =	sld [smem:$0x3FB5]  }
0x2d: {  	s3 =	simm.s32 $0x108;
	s8 =	sld [smem:$0x3FB6]  }
0x2e: {  	s3 =	simm.s32 @!p0 $0x1082;
	s9 =	sld [smem:$0x3FB7]  }
0x2f: {  	lr =	sadd.s32 s0, s3;
	s0 =	sld [smem:$0x3FAE]  }
0x30: {  	s3 =	sld [smem:$0x3FB1]  }
0x31: {  	[smem:$0x3FBA] =	sst s10  }
0x32: {  	s10 =	sld [smem:$0x3FB8];
	_ =	sdelay $0x3  }
0x33: {  	p0 =	seq.s32 s10, $0x1;
	s10 =	sld [smem:$0x3FBA];
	_ =	sdelay $0x3  }
0x34: {  	[smem:$0x3FBA] =	sst s10  }
0x35: {  	s10 =	sld [smem:$0x3FB9];
	_ =	sdelay $0x3  }
0x36: {  	p1 =	seq.s32 s10, $0x1;
	s10 =	sld [smem:$0x3FBA];
	_ =	sdelay $0x3  }
0x37: {  	[smem:$0x3FBA] =	sst s10  }
0x38: {  	s10 =	sld [smem:$0x3FBB]  }
0x39: {  	_ = 	snop;
	(pc) =	sbr.ind lr, $3  }
0x3a: {  	_ = 	snop  }
0x3b: {  	_ = 	snop  }
0x3c: {  	p2 =	seq.s32 s10, $0x1;
	s10 =	sld [smem:$0x3FBA]  }
0x3d: {  	_ =	shalt  }
0x3e: {  	_ =	shalt  }
0x3f: {  	_ =	shalt  }
0x40: {  	_ =	shalt  }
0x41: {  	_ =	shalt  }
0x42: {  	_ =	shalt  }
0x43: {  	_ =	shalt  }
0x44: {  	_ =	shalt  }
0x45: {  	_ =	shalt  }
0x46: {  	_ =	shalt  }
0x47: {  	_ =	shalt  }
0x48: {  	_ =	shalt  }
0x49: {  	_ =	shalt  }
0x4a: {  	_ =	shalt  }
0x4b: {  	_ =	shalt  }
0x4c: {  	_ =	shalt  }
0x4d: {  	_ =	shalt  }
0x4e: {  	_ =	shalt  }
0x4f: {  	_ =	shalt  }
0x50: {  	_ =	shalt  }
0x51: {  	_ =	shalt  }
0x52: {  	_ =	shalt  }
0x53: {  	_ =	shalt  }
0x54: {  	_ =	shalt  }
0x55: {  	_ =	shalt  }
0x56: {  	_ =	shalt  }
0x57: {  	_ =	shalt  }
0x58: {  	_ =	shalt  }
0x59: {  	_ =	shalt  }
0x5a: {  	_ =	shalt  }
0x5b: {  	_ =	shalt  }
0x5c: {  	_ =	shalt  }
0x5d: {  	_ =	shalt  }
0x5e: {  	_ =	shalt  }
0x5f: {  	_ =	shalt  }
0x60: {  	_ =	shalt  }
0x61: {  	_ =	shalt  }
0x62: {  	_ =	shalt  }
0x63: {  	_ =	shalt  }
0x64: {  	_ =	shalt  }
0x65: {  	_ =	shalt  }
0x66: {  	_ =	shalt  }
0x67: {  	_ =	shalt  }
0x68: {  	_ =	shalt  }
0x69: {  	_ =	shalt  }
0x6a: {  	_ =	shalt  }
0x6b: {  	_ =	shalt  }
0x6c: {  	_ =	shalt  }
0x6d: {  	_ =	shalt  }
0x6e: {  	_ =	shalt  }
0x6f: {  	_ =	shalt  }
0x70: {  	_ =	shalt  }
0x71: {  	_ =	shalt  }
0x72: {  	_ =	shalt  }
0x73: {  	_ =	shalt  }
0x74: {  	_ =	shalt  }
0x75: {  	_ =	shalt  }
0x76: {  	_ =	shalt  }
0x77: {  	_ =	shalt  }
0x78: {  	_ =	shalt  }
0x79: {  	_ =	shalt  }
0x7a: {  	_ =	shalt  }
0x7b: {  	_ =	shalt  }
0x7c: {  	_ =	shalt  }
0x7d: {  	_ =	shalt  }
0x7e: {  	_ =	shalt  }
0x7f: {  	_ =	shalt  }
0x80: {  	_ =	shalt  }
0x81: {  	_ =	shalt  }
0x82: {  	_ =	shalt  }
0x83: {  	_ =	shalt  }
0x84: {  	_ =	shalt  }
0x85: {  	_ =	shalt  }
0x86: {  	_ =	shalt  }
0x87: {  	_ =	shalt  }
.Lfunc_end0:
.L_simem_size_0:
called_computation_lowered:
.L_overlay_start_0:
0x88: {  	s2 =	sld [smem:$0x3FD9]  }
0x89: {  	s3 =	sld [smem:$0x3FFE];
	_ =	sdelay $0x1  }
0x8a: {  	s1 =	srdreg.scid  }
0x8b: {  	s0 =	sand.u32 $0x1, s1  }
0x8c: {  	s16 =	sshll.u32 s0, $0xA;
	s2 =	sadd.s32 s3, s2  }
0x8d: {  	s2 =	sadd.s32 s2, s16  }
0x8e: {  	[smem:$0x3FC6] =	sst s2  }
0x8f: {  	_ = 	snop  }
0x90: {  	(tm) =	ssettm $0x1  }
0x91: {  	s17 =	sld [smem:$0x3FFB];
	_ =	sdelay $0x3  }
0x92: {  	_ =	strace s17  }
0x93: {  	s2 =	sld [smem:$0x3FFC];
	_ =	sdelay $0x3  }
0x94: {  	_ =	strace s2  }
0x95: {  	s2 =	sld [smem:$0x3FFD];
	_ =	sdelay $0x3  }
0x96: {  	_ =	strace s2  }
0x97: {  	_ =	strace $0x8FFFFFFF  }
0x98: {  	s18 =	sld [smem:$0x3FDB];
	_ =	sdelay $0x1  }
0x99: {  	s19 =	simm.s32 $_scs_section_size  }
0x9a: {  	s4 =	simm.s32 $_size__tile_overlayer_lowered;
	s5 =	simm.s32 $_tile_overlayer_lowered  }
0x9b: {  	s22 =	simm.s32 $0x1BFF;
	s21 =	sshll.u32 s5, $0x1;
	s2 =	sadd.s32 s19, s18  }
0x9c: {  	s6 =	simm.s32 $0x0;
	s20 =	sshll.u32 s4, $0x1;
	s4 =	sadd.s32 s21, s2  }
0x9d: {  	[timem:s6], [sflag:s22] =	dma.local [hbm:s4], s20  }
0x9e: {  	_ =	swait.ge [sflag:s22], s20  }
0x9f: {  	s3 =	ssub.s32 $0x0, s20;
	[sflag:s22] =	ssyncset.done $0x0  }
0xa0: {  	[sflag:s22] =	ssyncadd.s32 s3;
	_ =	sdelay $0x1  }
0xa1: {  	s23 =	simm.s32 $0x1B8B  }
0xa2: {  	_ =	swait.ge [sflag:s23], $0x1  }
0xa3: {  	[sflag:s23] =	ssyncset.done $0x0  }
0xa4: {  	s25 =	simm.s32 $0x1B8E;
	s24 =	sld [smem:$0x3FFE];
	[sflag:s23] =	ssyncadd.s32 $0xFFFFFFFF  }
0xa5: {  	s26 =	simm.s32 $execute0_lowered;
	[smem:$0x3FD2] =	sst s25  }
0xa6: {  	s4 =	sshll.u32 s26, $0x1;
	_ =	strace $0x80000046;
	[dreg:$0x1] =	wrdreg $0xFFFFFFFF  }
0xa7: {  	s28 =	simm.s32 $_size_execute0_lowered;
	s2 =	sadd.s32 s2, s4;
	[dreg:$0x0] =	wrdreg $0x0  }
0xa8: {  	s4 =	sshll.u32 s28, $0x1;
	[dreg:$0x2] =	wrdreg s2  }
0xa9: {  	[dreg:$0x3] =	wrdreg s4  }
0xaa: {  	[dreg:$0x4] =	wrdreg $0xC0  }
0xab: {  	_ =	task [dreg:s6], $0x5FFFF  }
0xac: {  	[dreg:$0x1] =	wrdreg $0xFFFFFFFF  }
0xad: {  	[dreg:$0x0] =	wrdreg $0x60  }
0xae: {  	[dreg:$0x2] =	wrdreg s24  }
0xaf: {  	[dreg:$0x3] =	wrdreg $0x9  }
0xb0: {  	_ =	task.clear_ibuf [dreg:s6], $0x4FFFF;
	_ =	strace $0x90000046  }
0xb1: {  	s29 =	simm.s32 $0x9;
	_ =	strace $0x80000048  }
0xb2: {  	_ =	swait.ge [sflag:s29], $0x1  }
0xb3: {  	[sflag:s29] =	ssyncadd.s32 $0xFFFFFFFF  }
0xb4: {  	_ =	strace $0x90000048  }
0xb5: {  	_ =	sfence  }
0xb6: {  	s30 =	sld [smem:$0x0];
	_ =	sdelay $0x2  }
0xb7: {  	s31 =	sshll.u32 s1, $0xD;
	s1 =	sshrl.u32 s1, $0x2  }
0xb8: {  	s3 =	sand.u32 $0x4000, s31;
	s1 =	sadd.s32 s1, s30  }
0xb9: {  	s0 =	sor.u32 s3, s0;
	s1 =	sshll.u32 s1, $0x11  }
0xba: {  	s0 =	sor.u32 s1, s0  }
0xbb: {  	s0 =	sadd.s32 $0x8F2B, s0  }
0xbc: {  	[sflag:s0] =	ssyncadd.remote.s32 $0x1  }
0xbd: {  	_ =	sfence.sel $0xFFFF  }
0xbe: {  	[dreg:$0x0] =	wrdreg $0xFFFFFFFF;
	(pc) =	sbr.abs _section_cstart, $3  }
0xbf: {  	[dreg:$0x1] =	wrdreg $0xFFFFFFFF  }
0xc0: {  	_ =	task.clear_ibuf [dreg:s6], $0x2FFFF;
	_ =	strace $0x9FFFFFFF  }
0xc1: {  	(tm) =	ssettm $0x7FFFFFFF  }
tec
execute0_lowered:
.L_overlay_start_1:
0x0: {  	(tag) =	ssettag $0x1  }
0x1: {  	s0 =	srdreg.scid  }
0x2: {  	s3 =	sand.u32 $0x1, s0;
	s0 =	stileid.u32  }
0x3: {  	s4 =	sshll.u32 s0, $0x1;
	s5 =	ssub.s32 $0x0, s3  }
0x4: {  	p0 =	sne.s32 s4, s5  }
.Ltmp0:
0x5: {  	_ = 	snop;
	(pc) =	sbr.rel @p0 .LBB2_7-.Ltmp0, $3  }
0x6: {  	_ =	sdelay $0x1  }
0x7: {  	s2 =	rddreg [dreg:$0x0]  }
0x8: {  	s1 =	rddreg [dreg:$0x1];
	_ =	strace $0x80000047  }
0x9: {  	s3 =	ssub.s32 $0x2, s3  }
0xa: {  	s5 =	sshrl.u32 s3, $0x1  }
0xb: {  	s3 =	ssub.s32 s3, s5  }
0xc: {  	s30 =	smax.u32 s3, $0x1  }
0xd: {  	p0 =	sne.s32 s30, $0x1  }
.Ltmp1:
0xe: {  	_ = 	snop;
	(pc) =	sbr.rel @!p0 .LBB2_6-.Ltmp1, $4  }
0xf: {  	s4 =	sadd.s32 $0xC00, s2  }
0x10: {  	s29 =	sadd.s32 $0xE00, s2;
	s2 =	simm.s32 $0x1;
	[dreg:$0x2] =	wrdreg s4  }
0x11: {  	s31 =	simm.s32 $0x80;
	p1 =	por $0x0, $0x0;
	[dreg:$0x3] =	wrdreg s29  }
0x12: {  	[dreg:$0x4] =	wrdreg s31;
	s3 =	simm.s32 $0x0;
	s4 =	sadd.s32 $0xFFFFFFFF, s30  }
0x13: {  	s5 =	rddreg [dreg:$0x2]  }
0x14: {  	[tilespmem:s3], [sflag:$0x1] =	stream.linear.gather [hbm4b:s5+s3], $0x80, $0x38;
	[tilespmem:$0x100] =	vst v63  }
0x15: {  	_ =	swait.ge [sflag:s2], $0x80  }
0x16: {  	[sflag:s2] =	ssyncset.done $0x0  }
0x17: {  	[sflag:s2] =	ssyncadd.s32 $0xFFFFFF80  }
0x18: {  	v0 =	vld [tilespmem:$0x0];
	_ =	sdelay $0x4  }
0x19: {  	(v2sf) =	vpush v0, $0x0  }
0x1a: {  	(v2sf) =	vpush v0, $0x1;
	_ =	sdelay $0x2  }
0x1b: {  	(v2sf) =	vpush v0, $0x2;
	_ =	sdelay $0x2  }
0x1c: {  	(v2sf) =	vpush v0, $0x3;
	_ =	sdelay $0x2  }
0x1d: {  	(v2sf) =	vpush v0, $0x4;
	_ =	sdelay $0x2  }
0x1e: {  	(v2sf) =	vpush v0, $0x5;
	_ =	sdelay $0x1  }
0x1f: {  	s5 =	spop (v2sf)  }
0x20: {  	(v2sf) =	vpush v0, $0x6;
	s6 =	spop (v2sf)  }
0x21: {  	p0 =	sgt.f32 s6, s5;
	_ =	sdelay $0x1  }
0x22: {  	(v2sf) =	vpush v0, $0x7;
	s7 =	spop (v2sf);
	s5 =	smov.u32 @p0 s6  }
0x23: {  	p1 =	sgt.f32 s7, s5;
	_ =	sdelay $0x1  }
0x24: {  	s6 =	spop (v2sf);
	s5 =	smov.u32 @p1 s7  }
0x25: {  	p2 =	sgt.f32 s6, s5  }
0x26: {  	(v2sf) =	vpush v0, $0x8  }
0x27: {  	s7 =	spop (v2sf);
	s5 =	smov.u32 @p2 s6  }
0x28: {  	p3 =	sgt.f32 s7, s5;
	_ =	sdelay $0x1  }
0x29: {  	s6 =	spop (v2sf);
	s5 =	smov.u32 @p3 s7  }
0x2a: {  	(v2sf) =	vpush v0, $0x9;
	p4 =	sgt.f32 s6, s5;
	_ =	sdelay $0x1  }
0x2b: {  	s7 =	spop (v2sf);
	s5 =	smov.u32 @p4 s6  }
0x2c: {  	p5 =	sgt.f32 s7, s5;
	_ =	sdelay $0x1  }
0x2d: {  	(v2sf) =	vpush v0, $0xA;
	s6 =	spop (v2sf);
	s5 =	smov.u32 @p5 s7  }
0x2e: {  	p6 =	sgt.f32 s6, s5;
	_ =	sdelay $0x1  }
0x2f: {  	s7 =	simm.s32 @!p6 $0x0  }
0x30: {  	s7 =	simm.s32 @p6 $0x1  }
0x31: {  	(v2sf) =	vpush v0, $0xB;
	s5 =	smov.u32 @p6 s6;
	[smem:$0x7F1] =	sst s7;
	s7 =	spop (v2sf)  }
0x32: {  	p6 =	sgt.f32 s7, s5;
	_ =	sdelay $0x1  }
0x33: {  	s6 =	simm.s32 @!p6 $0x0  }
0x34: {  	s6 =	simm.s32 @p6 $0x1  }
0x35: {  	(v2sf) =	vpush v0, $0xC;
	s5 =	smov.u32 @p6 s7;
	[smem:$0x7F2] =	sst s6;
	s6 =	spop (v2sf)  }
0x36: {  	p6 =	sgt.f32 s6, s5;
	_ =	sdelay $0x1  }
0x37: {  	s7 =	simm.s32 @!p6 $0x0  }
0x38: {  	s7 =	simm.s32 @p6 $0x1  }
0x39: {  	(v2sf) =	vpush v0, $0xD;
	s5 =	smov.u32 @p6 s6;
	[smem:$0x7F3] =	sst s7;
	s7 =	spop (v2sf)  }
0x3a: {  	p6 =	sgt.f32 s7, s5;
	_ =	sdelay $0x1  }
0x3b: {  	s6 =	simm.s32 @!p6 $0x0  }
0x3c: {  	s6 =	simm.s32 @p6 $0x1  }
0x3d: {  	(v2sf) =	vpush v0, $0xE;
	s5 =	smov.u32 @p6 s7;
	[smem:$0x7F4] =	sst s6;
	s6 =	spop (v2sf)  }
0x3e: {  	p6 =	sgt.f32 s6, s5;
	_ =	sdelay $0x1  }
0x3f: {  	s7 =	simm.s32 @!p6 $0x0  }
0x40: {  	s7 =	simm.s32 @p6 $0x1  }
0x41: {  	v1 =	vld [tilespmem:$0x10];
	(v2sf) =	vpush v0, $0xF;
	s5 =	smov.u32 @p6 s6;
	[smem:$0x7F5] =	sst s7;
	s7 =	spop (v2sf)  }
0x42: {  	p6 =	sgt.f32 s7, s5;
	_ =	sdelay $0x1  }
0x43: {  	s6 =	simm.s32 @!p6 $0x0  }
0x44: {  	s6 =	simm.s32 @p6 $0x1  }
0x45: {  	(v2sf) =	vpush v1, $0x0;
	s5 =	smov.u32 @p6 s7;
	[smem:$0x7F6] =	sst s6;
	s6 =	spop (v2sf)  }
0x46: {  	p6 =	sgt.f32 s6, s5;
	_ =	sdelay $0x1  }
0x47: {  	s7 =	simm.s32 @!p6 $0x0  }
0x48: {  	(v2sf) =	vpush v1, $0x1;
	s7 =	simm.s32 @p6 $0x1  }
0x49: {  	s5 =	smov.u32 @p6 s6;
	[smem:$0x7F7] =	sst s7;
	s7 =	spop (v2sf)  }
0x4a: {  	p6 =	sgt.f32 s7, s5;
	_ =	sdelay $0x1  }
0x4b: {  	s6 =	simm.s32 @!p6 $0x0  }
0x4c: {  	s6 =	simm.s32 @p6 $0x1  }
0x4d: {  	(v2sf) =	vpush v1, $0x2;
	s5 =	smov.u32 @p6 s7;
	[smem:$0x7F8] =	sst s6;
	s6 =	spop (v2sf)  }
0x4e: {  	p6 =	sgt.f32 s6, s5;
	_ =	sdelay $0x1  }
0x4f: {  	s7 =	simm.s32 @!p6 $0x0  }
0x50: {  	s7 =	simm.s32 @p6 $0x1  }
0x51: {  	(v2sf) =	vpush v1, $0x3;
	s5 =	smov.u32 @p6 s6;
	[smem:$0x7F9] =	sst s7;
	s7 =	spop (v2sf)  }
0x52: {  	p6 =	sgt.f32 s7, s5;
	_ =	sdelay $0x1  }
0x53: {  	s6 =	simm.s32 @!p6 $0x0  }
0x54: {  	s8 =	spop (v2sf);
	s6 =	simm.s32 @p6 $0x1  }
0x55: {  	(v2sf) =	vpush v1, $0x4;
	s5 =	smov.u32 @p6 s7;
	[smem:$0x7FA] =	sst s6;
	s6 =	simm.s32 $0x1  }
0x56: {  	s6 =	simm.s32 @!p0 $0x0;
	p0 =	sgt.f32 s8, s5;
	_ =	sdelay $0x1  }
0x57: {  	(v2sf) =	vpush v1, $0x5;
	s7 =	simm.s32 @!p0 $0x0  }
0x58: {  	s15 =	sld [smem:$0x7F1];
	s7 =	simm.s32 @p0 $0x1  }
0x59: {  	s5 =	smov.u32 @p0 s8;
	[smem:$0x7FB] =	sst s7;
	s7 =	spop (v2sf)  }
0x5a: {  	s16 =	sld [smem:$0x7F2];
	(v2sf) =	vpush v1, $0x6;
	p0 =	sgt.f32 s7, s5  }
0x5b: {  	s17 =	sld [smem:$0x7F3]  }
0x5c: {  	s18 =	sld [smem:$0x7F4];
	s8 =	simm.s32 @!p0 $0x0  }
0x5d: {  	s19 =	sld [smem:$0x7F5];
	s6 =	simm.s32 @p1 $0x2;
	(v2sf) =	vpush v1, $0x7;
	s8 =	simm.s32 @p0 $0x1  }
0x5e: {  	s5 =	smov.u32 @p0 s7;
	[smem:$0x7FC] =	sst s8;
	s8 =	spop (v2sf)  }
0x5f: {  	s20 =	sld [smem:$0x7F6];
	s6 =	simm.s32 @p2 $0x3;
	p0 =	sgt.f32 s8, s5  }
0x60: {  	s21 =	sld [smem:$0x7F7];
	s6 =	simm.s32 @p3 $0x4;
	(v2sf) =	vpush v1, $0x8  }
0x61: {  	s22 =	sld [smem:$0x7F8];
	s6 =	simm.s32 @p4 $0x5;
	s7 =	simm.s32 @!p0 $0x0  }
0x62: {  	s6 =	simm.s32 @p5 $0x6;
	s5 =	smov.u32 @p0 s8;
	s7 =	simm.s32 @p0 $0x1  }
0x63: {  	p0 =	seq.s32 s15, $0x1;
	[smem:$0x7FD] =	sst s7;
	s7 =	spop (v2sf);
	(v2sf) =	vpush v1, $0x9  }
0x64: {  	s6 =	simm.s32 @p0 $0x7;
	p0 =	seq.s32 s16, $0x1;
	p5 =	sgt.f32 s7, s5  }
0x65: {  	s23 =	sld [smem:$0x7F9];
	s6 =	simm.s32 @p0 $0x8  }
0x66: {  	s8 =	spop (v2sf);
	(v2sf) =	vpush v1, $0xA;
	p0 =	seq.s32 s17, $0x1;
	s5 =	smov.u32 @p5 s7  }
0x67: {  	s6 =	simm.s32 @p0 $0x9;
	p0 =	seq.s32 s18, $0x1;
	p4 =	sgt.f32 s8, s5  }
0x68: {  	s24 =	sld [smem:$0x7FA];
	s6 =	simm.s32 @p0 $0xA  }
0x69: {  	s7 =	spop (v2sf);
	(v2sf) =	vpush v1, $0xB;
	p0 =	seq.s32 s19, $0x1;
	s5 =	smov.u32 @p4 s8  }
0x6a: {  	s6 =	simm.s32 @p0 $0xB;
	p0 =	seq.s32 s20, $0x1;
	p3 =	sgt.f32 s7, s5  }
0x6b: {  	s25 =	sld [smem:$0x7FB];
	s6 =	simm.s32 @p0 $0xC  }
0x6c: {  	p0 =	seq.s32 s21, $0x1;
	s8 =	spop (v2sf);
	(v2sf) =	vpush v1, $0xC;
	s5 =	smov.u32 @p3 s7  }
0x6d: {  	s6 =	simm.s32 @p0 $0xD;
	p0 =	seq.s32 s22, $0x1;
	p2 =	sgt.f32 s8, s5  }
0x6e: {  	s26 =	sld [smem:$0x7FC];
	s6 =	simm.s32 @p0 $0xE  }
0x6f: {  	p0 =	seq.s32 s23, $0x1;
	s7 =	spop (v2sf);
	(v2sf) =	vpush v1, $0xD;
	s5 =	smov.u32 @p2 s8  }
0x70: {  	s6 =	simm.s32 @p0 $0xF;
	p0 =	seq.s32 s24, $0x1;
	p1 =	sgt.f32 s7, s5  }
0x71: {  	s28 =	sld [smem:$0x7FD];
	s6 =	simm.s32 @p0 $0x10  }
0x72: {  	p0 =	seq.s32 s25, $0x1;
	s8 =	spop (v2sf);
	(v2sf) =	vpush v1, $0xE;
	s5 =	smov.u32 @p1 s7  }
0x73: {  	p6 =	seq.s32 s26, $0x1;
	s6 =	simm.s32 @p0 $0x11;
	p0 =	sgt.f32 s8, s5  }
0x74: {  	s6 =	simm.s32 @p6 $0x12  }
0x75: {  	p6 =	seq.s32 s28, $0x1;
	s7 =	spop (v2sf);
	(v2sf) =	vpush v1, $0xF;
	s5 =	smov.u32 @p0 s8  }
0x76: {  	s6 =	simm.s32 @p6 $0x13;
	p6 =	sgt.f32 s7, s5;
	_ =	sdelay $0x1  }
0x77: {  	s6 =	simm.s32 @p5 $0x14;
	s8 =	spop (v2sf);
	s5 =	smov.u32 @p6 s7  }
0x78: {  	s6 =	simm.s32 @p4 $0x15;
	p4 =	sgt.f32 s8, s5;
	_ =	sdelay $0x1  }
0x79: {  	s6 =	simm.s32 @p3 $0x16;
	s7 =	spop (v2sf);
	s5 =	smov.u32 @p4 s8  }
0x7a: {  	s6 =	simm.s32 @p2 $0x17;
	p2 =	sgt.f32 s7, s5;
	_ =	sdelay $0x1  }
0x7b: {  	s6 =	simm.s32 @p1 $0x18;
	s8 =	spop (v2sf);
	s5 =	smov.u32 @p2 s7  }
0x7c: {  	s6 =	simm.s32 @p0 $0x19;
	p0 =	sgt.f32 s8, s5;
	_ =	sdelay $0x1  }
0x7d: {  	s7 =	spop (v2sf);
	s5 =	smov.u32 @p0 s8  }
0x7e: {  	s6 =	simm.s32 @p6 $0x1A;
	p1 =	sgt.f32 s7, s5  }
0x7f: {  	s6 =	simm.s32 @p4 $0x1B  }
0x80: {  	s6 =	simm.s32 @p2 $0x1C;
	s29 =	spop (v2sf);
	s5 =	smov.u32 @p1 s7  }
0x81: {  	s6 =	simm.s32 @p0 $0x1D;
	p0 =	sgt.f32 s29, s5  }
0x82: {  	s6 =	simm.s32 @p1 $0x1E  }
0x83: {  	s6 =	simm.s32 @p0 $0x1F;
	p0 =	sne.s32 s4, $0x1  }
.Ltmp2:
0x84: {  	_ = 	snop;
	(pc) =	sbr.rel @!p0 .LBB2_3-.Ltmp2, $4  }
0x85: {  	s30 =	rddreg [dreg:$0x4];
	v63 =	vmov s6  }
0x86: {  	s31 =	rddreg [dreg:$0x3];
	[tilespmem:$0x80] =	vst v63  }
0x87: {  	[hbm4b:s31+s3] =	stream.linear.scatter [tilespmem:s30], [sflag:$0x1], $0x80, $0x38;
	[tilespmem:$0x100] =	vst v63  }
0x88: {  	s4 =	sadd.s32 $0xFFFFFFFF, s4;
	_ =	swait.ge [sflag:s2], $0x80  }
.LBB2_4:
0x89: {  	p0 =	sne.s32 s4, $0x1  }
0x8a: {  	[sflag:s2] =	ssyncset.done $0x0;
	s5 =	simm.s32 @!p0 $0x0  }
0x8b: {  	s11 =	rddreg [dreg:$0x2];
	[sflag:s2] =	ssyncadd.s32 $0xFFFFFF80;
	s5 =	simm.s32 @p0 $0x1  }
0x8c: {  	[tilespmem:s3], [sflag:$0x1] =	stream.linear.gather [hbm4b:s11+s3], $0x80, $0x38;
	[tilespmem:$0x100] =	vst v63  }
0x8d: {  	[smem:$0x7F0] =	sst s5  }
0x8e: {  	_ =	swait.ge [sflag:s2], $0x80  }
0x8f: {  	[sflag:s2] =	ssyncset.done $0x0  }
0x90: {  	[sflag:s2] =	ssyncadd.s32 $0xFFFFFF80  }
0x91: {  	v1 =	vld [tilespmem:$0x0];
	_ =	sdelay $0x4  }
0x92: {  	(v2sf) =	vpush v1, $0x0  }
0x93: {  	(v2sf) =	vpush v1, $0x1;
	_ =	sdelay $0x2  }
0x94: {  	(v2sf) =	vpush v1, $0x2;
	_ =	sdelay $0x2  }
0x95: {  	(v2sf) =	vpush v1, $0x3;
	_ =	sdelay $0x2  }
0x96: {  	(v2sf) =	vpush v1, $0x4;
	_ =	sdelay $0x2  }
0x97: {  	(v2sf) =	vpush v1, $0x5;
	_ =	sdelay $0x1  }
0x98: {  	s5 =	spop (v2sf)  }
0x99: {  	(v2sf) =	vpush v1, $0x6;
	s6 =	spop (v2sf)  }
0x9a: {  	p0 =	sgt.f32 s6, s5;
	_ =	sdelay $0x1  }
0x9b: {  	s7 =	spop (v2sf);
	s5 =	smov.u32 @p0 s6  }
0x9c: {  	p1 =	sgt.f32 s7, s5  }
0x9d: {  	(v2sf) =	vpush v1, $0x7  }
0x9e: {  	s6 =	spop (v2sf);
	s5 =	smov.u32 @p1 s7  }
0x9f: {  	p2 =	sgt.f32 s6, s5;
	_ =	sdelay $0x1  }
0xa0: {  	s7 =	spop (v2sf);
	s5 =	smov.u32 @p2 s6  }
0xa1: {  	(v2sf) =	vpush v1, $0x8;
	p3 =	sgt.f32 s7, s5;
	_ =	sdelay $0x1  }
0xa2: {  	s6 =	spop (v2sf);
	s5 =	smov.u32 @p3 s7  }
0xa3: {  	p4 =	sgt.f32 s6, s5;
	_ =	sdelay $0x1  }
0xa4: {  	(v2sf) =	vpush v1, $0x9;
	s7 =	spop (v2sf);
	s5 =	smov.u32 @p4 s6  }
0xa5: {  	p5 =	sgt.f32 s7, s5;
	_ =	sdelay $0x1  }
0xa6: {  	s6 =	simm.s32 @!p5 $0x0  }
0xa7: {  	s6 =	simm.s32 @p5 $0x1  }
0xa8: {  	(v2sf) =	vpush v1, $0xA;
	s5 =	smov.u32 @p5 s7;
	[smem:$0x7E0] =	sst s6;
	s6 =	spop (v2sf)  }
0xa9: {  	p5 =	sgt.f32 s6, s5;
	_ =	sdelay $0x1  }
0xaa: {  	s7 =	simm.s32 @!p5 $0x0  }
0xab: {  	s7 =	simm.s32 @p5 $0x1  }
0xac: {  	(v2sf) =	vpush v1, $0xB;
	s5 =	smov.u32 @p5 s6;
	[smem:$0x7E1] =	sst s7;
	s7 =	spop (v2sf)  }
0xad: {  	p5 =	sgt.f32 s7, s5;
	_ =	sdelay $0x1  }
0xae: {  	s6 =	simm.s32 @!p5 $0x0  }
0xaf: {  	s6 =	simm.s32 @p5 $0x1  }
0xb0: {  	(v2sf) =	vpush v1, $0xC;
	s5 =	smov.u32 @p5 s7;
	[smem:$0x7E2] =	sst s6;
	s6 =	spop (v2sf)  }
0xb1: {  	p5 =	sgt.f32 s6, s5;
	_ =	sdelay $0x1  }
0xb2: {  	s7 =	simm.s32 @!p5 $0x0  }
0xb3: {  	s7 =	simm.s32 @p5 $0x1  }
0xb4: {  	(v2sf) =	vpush v1, $0xD;
	s5 =	smov.u32 @p5 s6;
	[smem:$0x7E3] =	sst s7;
	s7 =	spop (v2sf)  }
0xb5: {  	p5 =	sgt.f32 s7, s5;
	_ =	sdelay $0x1  }
0xb6: {  	s6 =	simm.s32 @!p5 $0x0  }
0xb7: {  	s6 =	simm.s32 @p5 $0x1  }
0xb8: {  	(v2sf) =	vpush v1, $0xE;
	s5 =	smov.u32 @p5 s7;
	[smem:$0x7E4] =	sst s6;
	s6 =	spop (v2sf)  }
0xb9: {  	p5 =	sgt.f32 s6, s5;
	_ =	sdelay $0x1  }
0xba: {  	s7 =	simm.s32 @!p5 $0x0  }
0xbb: {  	s7 =	simm.s32 @p5 $0x1  }
0xbc: {  	v0 =	vld [tilespmem:$0x10];
	(v2sf) =	vpush v1, $0xF;
	s5 =	smov.u32 @p5 s6;
	[smem:$0x7E5] =	sst s7;
	s7 =	spop (v2sf)  }
0xbd: {  	p5 =	sgt.f32 s7, s5;
	_ =	sdelay $0x1  }
0xbe: {  	s6 =	simm.s32 @!p5 $0x0  }
0xbf: {  	s6 =	simm.s32 @p5 $0x1  }
0xc0: {  	(v2sf) =	vpush v0, $0x0;
	s5 =	smov.u32 @p5 s7;
	[smem:$0x7E6] =	sst s6;
	s6 =	spop (v2sf)  }
0xc1: {  	p5 =	sgt.f32 s6, s5;
	_ =	sdelay $0x1  }
0xc2: {  	s7 =	simm.s32 @!p5 $0x0  }
0xc3: {  	s7 =	simm.s32 @p5 $0x1  }
0xc4: {  	(v2sf) =	vpush v0, $0x1;
	s5 =	smov.u32 @p5 s6;
	[smem:$0x7E7] =	sst s7;
	s7 =	spop (v2sf)  }
0xc5: {  	p5 =	sgt.f32 s7, s5;
	_ =	sdelay $0x1  }
0xc6: {  	s6 =	simm.s32 @!p5 $0x0  }
0xc7: {  	s6 =	simm.s32 @p5 $0x1  }
0xc8: {  	(v2sf) =	vpush v0, $0x2;
	s5 =	smov.u32 @p5 s7;
	[smem:$0x7E8] =	sst s6;
	s6 =	spop (v2sf)  }
0xc9: {  	p5 =	sgt.f32 s6, s5;
	_ =	sdelay $0x1  }
0xca: {  	s7 =	simm.s32 @!p5 $0x0  }
0xcb: {  	s7 =	simm.s32 @p5 $0x1  }
0xcc: {  	(v2sf) =	vpush v0, $0x3;
	s5 =	smov.u32 @p5 s6;
	[smem:$0x7E9] =	sst s7;
	s7 =	spop (v2sf)  }
0xcd: {  	p5 =	sgt.f32 s7, s5;
	_ =	sdelay $0x1  }
0xce: {  	s6 =	simm.s32 @!p5 $0x0  }
0xcf: {  	s6 =	simm.s32 @p5 $0x1  }
0xd0: {  	(v2sf) =	vpush v0, $0x4;
	s5 =	smov.u32 @p5 s7;
	[smem:$0x7EA] =	sst s6;
	s6 =	spop (v2sf)  }
0xd1: {  	p5 =	sgt.f32 s6, s5  }
0xd2: {  	s13 =	sld [smem:$0x7E0];
	(v2sf) =	vpush v0, $0x5  }
0xd3: {  	s14 =	sld [smem:$0x7E1];
	s7 =	simm.s32 @!p5 $0x0  }
0xd4: {  	s10 =	sld [smem:$0x7E2];
	s7 =	simm.s32 @p5 $0x1  }
0xd5: {  	(v2sf) =	vpush v0, $0x6;
	s5 =	smov.u32 @p5 s6;
	[smem:$0x7EB] =	sst s7;
	s7 =	spop (v2sf)  }
0xd6: {  	s15 =	sld [smem:$0x7E3];
	p5 =	sgt.f32 s7, s5  }
0xd7: {  	s16 =	sld [smem:$0x7E4]  }
0xd8: {  	s17 =	sld [smem:$0x7E5];
	s6 =	simm.s32 @!p5 $0x0  }
0xd9: {  	s18 =	sld [smem:$0x7E6];
	(v2sf) =	vpush v0, $0x7;
	s6 =	simm.s32 @p5 $0x1  }
0xda: {  	s5 =	smov.u32 @p5 s7;
	[smem:$0x7EC] =	sst s6;
	s6 =	spop (v2sf)  }
0xdb: {  	s19 =	sld [smem:$0x7E7];
	p5 =	sgt.f32 s6, s5  }
0xdc: {  	s20 =	sld [smem:$0x7E8];
	(v2sf) =	vpush v0, $0x8  }
0xdd: {  	s21 =	sld [smem:$0x7E9];
	s7 =	simm.s32 @!p5 $0x0  }
0xde: {  	s22 =	sld [smem:$0x7EA];
	s7 =	simm.s32 @p5 $0x1  }
0xdf: {  	s5 =	smov.u32 @p5 s6;
	[smem:$0x7ED] =	sst s7;
	s7 =	spop (v2sf)  }
0xe0: {  	s23 =	sld [smem:$0x7EB];
	(v2sf) =	vpush v0, $0x9;
	p5 =	sgt.f32 s7, s5  }
0xe1: {  	s24 =	sld [smem:$0x7EC];
	s8 =	spop (v2sf)  }
0xe2: {  	(v2sf) =	vpush v0, $0xA;
	s25 =	sld [smem:$0x7ED];
	s6 =	simm.s32 @!p5 $0x0;
	s5 =	smov.u32 @p5 s7  }
0xe3: {  	s7 =	simm.s32 $0x1;
	s6 =	simm.s32 @p5 $0x1;
	p5 =	sgt.f32 s8, s5  }
0xe4: {  	s9 =	spop (v2sf);
	s7 =	simm.s32 @!p0 $0x0;
	p0 =	seq.s32 s13, $0x1  }
0xe5: {  	(v2sf) =	vpush v0, $0xB;
	[smem:$0x7EE] =	sst s6;
	s7 =	simm.s32 @p1 $0x2;
	s6 =	simm.s32 @!p5 $0x0  }
0xe6: {  	s5 =	smov.u32 @p5 s8;
	s7 =	simm.s32 @p2 $0x3;
	s26 =	sld [smem:$0x7EE]  }
0xe7: {  	s6 =	simm.s32 @p5 $0x1;
	p5 =	sgt.f32 s9, s5;
	s7 =	simm.s32 @p3 $0x4  }
0xe8: {  	s8 =	spop (v2sf);
	(v2sf) =	vpush v0, $0xC;
	[smem:$0x7EF] =	sst s6;
	s7 =	simm.s32 @p4 $0x5  }
0xe9: {  	s5 =	smov.u32 @p5 s9;
	s7 =	simm.s32 @p0 $0x6;
	p0 =	seq.s32 s14, $0x1  }
0xea: {  	p4 =	sgt.f32 s8, s5;
	s7 =	simm.s32 @p0 $0x7;
	p0 =	seq.s32 s10, $0x1  }
0xeb: {  	s9 =	spop (v2sf);
	s7 =	simm.s32 @p0 $0x8;
	p0 =	seq.s32 s15, $0x1  }
0xec: {  	(v2sf) =	vpush v0, $0xD;
	s5 =	smov.u32 @p4 s8;
	s7 =	simm.s32 @p0 $0x9;
	p0 =	seq.s32 s16, $0x1  }
0xed: {  	p3 =	sgt.f32 s9, s5;
	s7 =	simm.s32 @p0 $0xA;
	p0 =	seq.s32 s17, $0x1  }
0xee: {  	s28 =	sld [smem:$0x7EF];
	s7 =	simm.s32 @p0 $0xB  }
0xef: {  	p0 =	seq.s32 s18, $0x1;
	s8 =	spop (v2sf);
	(v2sf) =	vpush v0, $0xE;
	s5 =	smov.u32 @p3 s9  }
0xf0: {  	s7 =	simm.s32 @p0 $0xC;
	p0 =	seq.s32 s19, $0x1;
	p2 =	sgt.f32 s8, s5  }
0xf1: {  	s7 =	simm.s32 @p0 $0xD;
	s9 =	spop (v2sf);
	p0 =	seq.s32 s20, $0x1  }
0xf2: {  	(v2sf) =	vpush v0, $0xF;
	s7 =	simm.s32 @p0 $0xE;
	p0 =	seq.s32 s21, $0x1;
	s5 =	smov.u32 @p2 s8  }
0xf3: {  	s7 =	simm.s32 @p0 $0xF;
	p0 =	seq.s32 s22, $0x1;
	p1 =	sgt.f32 s9, s5  }
0xf4: {  	s8 =	spop (v2sf);
	s7 =	simm.s32 @p0 $0x10;
	p0 =	seq.s32 s23, $0x1  }
0xf5: {  	s7 =	simm.s32 @p0 $0x11;
	p0 =	seq.s32 s24, $0x1;
	s5 =	smov.u32 @p1 s9  }
0xf6: {  	p6 =	seq.s32 s25, $0x1;
	s7 =	simm.s32 @p0 $0x12;
	p0 =	sgt.f32 s8, s5  }
0xf7: {  	s9 =	spop (v2sf);
	s7 =	simm.s32 @p6 $0x13;
	p6 =	seq.s32 s26, $0x1  }
0xf8: {  	s7 =	simm.s32 @p6 $0x14;
	p6 =	seq.s32 s28, $0x1;
	s5 =	smov.u32 @p0 s8  }
0xf9: {  	s7 =	simm.s32 @p6 $0x15;
	p6 =	sgt.f32 s9, s5  }
0xfa: {  	s7 =	simm.s32 @p5 $0x16  }
0xfb: {  	s8 =	spop (v2sf);
	s7 =	simm.s32 @p4 $0x17;
	s5 =	smov.u32 @p6 s9  }
0xfc: {  	s7 =	simm.s32 @p3 $0x18;
	p3 =	sgt.f32 s8, s5  }
0xfd: {  	s7 =	simm.s32 @p2 $0x19  }
0xfe: {  	s7 =	simm.s32 @p1 $0x1A;
	s9 =	spop (v2sf);
	s5 =	smov.u32 @p3 s8  }
0xff: {  	s7 =	simm.s32 @p0 $0x1B;
	p0 =	sgt.f32 s9, s5  }
0x100: {  	s7 =	simm.s32 @p6 $0x1C  }
0x101: {  	s29 =	spop (v2sf);
	s7 =	simm.s32 @p3 $0x1D;
	s5 =	smov.u32 @p0 s9  }
0x102: {  	s7 =	simm.s32 @p0 $0x1E;
	p0 =	sgt.f32 s29, s5;
	_ =	sdelay $0x1  }
0x103: {  	s7 =	simm.s32 @p0 $0x1F  }
0x104: {  	s12 =	rddreg [dreg:$0x4];
	v63 =	vmov s7  }
0x105: {  	s30 =	rddreg [dreg:$0x3];
	[tilespmem:$0x80] =	vst v63  }
0x106: {  	[hbm4b:s30+s3] =	stream.linear.scatter [tilespmem:s12], [sflag:$0x1], $0x80, $0x38;
	[tilespmem:$0x100] =	vst v63  }
0x107: {  	_ =	swait.ge [sflag:s2], $0x80  }
0x108: {  	s31 =	sld [smem:$0x7F0];
	_ =	sdelay $0x2  }
0x109: {  	p0 =	seq.s32 s31, $0x1  }
.Ltmp3:
0x10a: {  	_ = 	snop;
	(pc) =	sbr.rel @p0 .LBB2_4-.Ltmp3, $2  }
0x10b: {  	_ =	sdelay $0x2  }
0x10c: {  	s4 =	sadd.s32 $0xFFFFFFFF, s4  }
0x10d: {  	p1 =	por $0x1, $0x1  }
.LBB2_6:
0x10e: {  	[sflag:s2] =	ssyncset.done @p1 $0x0  }
0x10f: {  	s4 =	rddreg [dreg:$0x2];
	[sflag:s2] =	ssyncadd.s32 @p1 $0xFFFFFF80  }
0x110: {  	[tilespmem:s3], [sflag:$0x1] =	stream.linear.gather [hbm4b:s4+s3], $0x80, $0x38;
	[tilespmem:$0x100] =	vst v63  }
0x111: {  	_ =	swait.ge [sflag:s2], $0x80  }
0x112: {  	[sflag:s2] =	ssyncset.done $0x0  }
0x113: {  	[sflag:s2] =	ssyncadd.s32 $0xFFFFFF80  }
0x114: {  	v0 =	vld [tilespmem:$0x0];
	_ =	sdelay $0x4  }
0x115: {  	(v2sf) =	vpush v0, $0x0  }
0x116: {  	(v2sf) =	vpush v0, $0x1;
	_ =	sdelay $0x2  }
0x117: {  	(v2sf) =	vpush v0, $0x2;
	_ =	sdelay $0x2  }
0x118: {  	(v2sf) =	vpush v0, $0x3;
	_ =	sdelay $0x2  }
0x119: {  	(v2sf) =	vpush v0, $0x4;
	_ =	sdelay $0x2  }
0x11a: {  	(v2sf) =	vpush v0, $0x5;
	_ =	sdelay $0x1  }
0x11b: {  	s4 =	spop (v2sf)  }
0x11c: {  	(v2sf) =	vpush v0, $0x6;
	s5 =	spop (v2sf)  }
0x11d: {  	p0 =	sgt.f32 s5, s4;
	_ =	sdelay $0x1  }
0x11e: {  	(v2sf) =	vpush v0, $0x7;
	s6 =	spop (v2sf);
	s4 =	smov.u32 @p0 s5  }
0x11f: {  	p1 =	sgt.f32 s6, s4;
	_ =	sdelay $0x1  }
0x120: {  	s5 =	spop (v2sf);
	s4 =	smov.u32 @p1 s6  }
0x121: {  	p2 =	sgt.f32 s5, s4  }
0x122: {  	(v2sf) =	vpush v0, $0x8  }
0x123: {  	s6 =	spop (v2sf);
	s4 =	smov.u32 @p2 s5  }
0x124: {  	p3 =	sgt.f32 s6, s4;
	_ =	sdelay $0x1  }
0x125: {  	s5 =	spop (v2sf);
	s4 =	smov.u32 @p3 s6  }
0x126: {  	(v2sf) =	vpush v0, $0x9;
	p4 =	sgt.f32 s5, s4;
	_ =	sdelay $0x1  }
0x127: {  	s6 =	spop (v2sf);
	s4 =	smov.u32 @p4 s5  }
0x128: {  	p5 =	sgt.f32 s6, s4;
	_ =	sdelay $0x1  }
0x129: {  	(v2sf) =	vpush v0, $0xA;
	s5 =	spop (v2sf);
	s4 =	smov.u32 @p5 s6  }
0x12a: {  	p6 =	sgt.f32 s5, s4;
	_ =	sdelay $0x1  }
0x12b: {  	s6 =	simm.s32 @!p6 $0x0  }
0x12c: {  	s6 =	simm.s32 @p6 $0x1  }
0x12d: {  	(v2sf) =	vpush v0, $0xB;
	s4 =	smov.u32 @p6 s5;
	[smem:$0x7D3] =	sst s6;
	s6 =	spop (v2sf)  }
0x12e: {  	p6 =	sgt.f32 s6, s4;
	_ =	sdelay $0x1  }
0x12f: {  	s5 =	simm.s32 @!p6 $0x0  }
0x130: {  	s5 =	simm.s32 @p6 $0x1  }
0x131: {  	(v2sf) =	vpush v0, $0xC;
	s4 =	smov.u32 @p6 s6;
	[smem:$0x7D4] =	sst s5;
	s5 =	spop (v2sf)  }
0x132: {  	p6 =	sgt.f32 s5, s4;
	_ =	sdelay $0x1  }
0x133: {  	s6 =	simm.s32 @!p6 $0x0  }
0x134: {  	s6 =	simm.s32 @p6 $0x1  }
0x135: {  	(v2sf) =	vpush v0, $0xD;
	s4 =	smov.u32 @p6 s5;
	[smem:$0x7D5] =	sst s6;
	s6 =	spop (v2sf)  }
0x136: {  	p6 =	sgt.f32 s6, s4;
	_ =	sdelay $0x1  }
0x137: {  	s5 =	simm.s32 @!p6 $0x0  }
0x138: {  	s5 =	simm.s32 @p6 $0x1  }
0x139: {  	(v2sf) =	vpush v0, $0xE;
	s4 =	smov.u32 @p6 s6;
	[smem:$0x7D6] =	sst s5;
	s5 =	spop (v2sf)  }
0x13a: {  	p6 =	sgt.f32 s5, s4;
	_ =	sdelay $0x1  }
0x13b: {  	s6 =	simm.s32 @!p6 $0x0  }
0x13c: {  	s6 =	simm.s32 @p6 $0x1  }
0x13d: {  	v1 =	vld [tilespmem:$0x10];
	(v2sf) =	vpush v0, $0xF;
	s4 =	smov.u32 @p6 s5;
	[smem:$0x7D7] =	sst s6;
	s6 =	spop (v2sf)  }
0x13e: {  	p6 =	sgt.f32 s6, s4;
	_ =	sdelay $0x1  }
0x13f: {  	s5 =	simm.s32 @!p6 $0x0  }
0x140: {  	s5 =	simm.s32 @p6 $0x1  }
0x141: {  	(v2sf) =	vpush v1, $0x0;
	s4 =	smov.u32 @p6 s6;
	[smem:$0x7D8] =	sst s5;
	s5 =	spop (v2sf)  }
0x142: {  	p6 =	sgt.f32 s5, s4;
	_ =	sdelay $0x1  }
0x143: {  	s6 =	simm.s32 @!p6 $0x0  }
0x144: {  	(v2sf) =	vpush v1, $0x1;
	s6 =	simm.s32 @p6 $0x1  }
0x145: {  	s4 =	smov.u32 @p6 s5;
	[smem:$0x7D9] =	sst s6;
	s6 =	spop (v2sf)  }
0x146: {  	p6 =	sgt.f32 s6, s4;
	_ =	sdelay $0x1  }
0x147: {  	s5 =	simm.s32 @!p6 $0x0  }
0x148: {  	s5 =	simm.s32 @p6 $0x1  }
0x149: {  	(v2sf) =	vpush v1, $0x2;
	s4 =	smov.u32 @p6 s6;
	[smem:$0x7DA] =	sst s5;
	s5 =	spop (v2sf)  }
0x14a: {  	p6 =	sgt.f32 s5, s4;
	_ =	sdelay $0x1  }
0x14b: {  	s6 =	simm.s32 @!p6 $0x0  }
0x14c: {  	s6 =	simm.s32 @p6 $0x1  }
0x14d: {  	(v2sf) =	vpush v1, $0x3;
	s4 =	smov.u32 @p6 s5;
	[smem:$0x7DB] =	sst s6;
	s6 =	spop (v2sf)  }
0x14e: {  	p6 =	sgt.f32 s6, s4;
	_ =	sdelay $0x1  }
0x14f: {  	s5 =	simm.s32 @!p6 $0x0  }
0x150: {  	s7 =	spop (v2sf);
	s5 =	simm.s32 @p6 $0x1  }
0x151: {  	(v2sf) =	vpush v1, $0x4;
	s4 =	smov.u32 @p6 s6;
	[smem:$0x7DC] =	sst s5;
	s5 =	simm.s32 $0x1  }
0x152: {  	s5 =	simm.s32 @!p0 $0x0;
	p0 =	sgt.f32 s7, s4;
	_ =	sdelay $0x1  }
0x153: {  	(v2sf) =	vpush v1, $0x5;
	s6 =	simm.s32 @!p0 $0x0  }
0x154: {  	s15 =	sld [smem:$0x7D3];
	s6 =	simm.s32 @p0 $0x1  }
0x155: {  	s4 =	smov.u32 @p0 s7;
	[smem:$0x7DD] =	sst s6;
	s6 =	spop (v2sf)  }
0x156: {  	s16 =	sld [smem:$0x7D4];
	(v2sf) =	vpush v1, $0x6;
	p0 =	sgt.f32 s6, s4  }
0x157: {  	s17 =	sld [smem:$0x7D5]  }
0x158: {  	s18 =	sld [smem:$0x7D6];
	s7 =	simm.s32 @!p0 $0x0  }
0x159: {  	s19 =	sld [smem:$0x7D7];
	s5 =	simm.s32 @p1 $0x2;
	(v2sf) =	vpush v1, $0x7;
	s7 =	simm.s32 @p0 $0x1  }
0x15a: {  	s4 =	smov.u32 @p0 s6;
	[smem:$0x7DE] =	sst s7;
	s7 =	spop (v2sf)  }
0x15b: {  	s20 =	sld [smem:$0x7D8];
	s5 =	simm.s32 @p2 $0x3;
	p0 =	sgt.f32 s7, s4  }
0x15c: {  	s21 =	sld [smem:$0x7D9];
	s5 =	simm.s32 @p3 $0x4;
	(v2sf) =	vpush v1, $0x8  }
0x15d: {  	s22 =	sld [smem:$0x7DA];
	s5 =	simm.s32 @p4 $0x5;
	s6 =	simm.s32 @!p0 $0x0  }
0x15e: {  	s5 =	simm.s32 @p5 $0x6;
	s4 =	smov.u32 @p0 s7;
	s6 =	simm.s32 @p0 $0x1  }
0x15f: {  	p0 =	seq.s32 s15, $0x1;
	[smem:$0x7DF] =	sst s6;
	s6 =	spop (v2sf);
	(v2sf) =	vpush v1, $0x9  }
0x160: {  	s5 =	simm.s32 @p0 $0x7;
	p0 =	seq.s32 s16, $0x1;
	p5 =	sgt.f32 s6, s4  }
0x161: {  	s23 =	sld [smem:$0x7DB];
	s5 =	simm.s32 @p0 $0x8  }
0x162: {  	s7 =	spop (v2sf);
	(v2sf) =	vpush v1, $0xA;
	p0 =	seq.s32 s17, $0x1;
	s4 =	smov.u32 @p5 s6  }
0x163: {  	s5 =	simm.s32 @p0 $0x9;
	p0 =	seq.s32 s18, $0x1;
	p4 =	sgt.f32 s7, s4  }
0x164: {  	s24 =	sld [smem:$0x7DC];
	s5 =	simm.s32 @p0 $0xA  }
0x165: {  	s6 =	spop (v2sf);
	(v2sf) =	vpush v1, $0xB;
	p0 =	seq.s32 s19, $0x1;
	s4 =	smov.u32 @p4 s7  }
0x166: {  	s5 =	simm.s32 @p0 $0xB;
	p0 =	seq.s32 s20, $0x1;
	p3 =	sgt.f32 s6, s4  }
0x167: {  	s25 =	sld [smem:$0x7DD];
	s5 =	simm.s32 @p0 $0xC  }
0x168: {  	p0 =	seq.s32 s21, $0x1;
	s7 =	spop (v2sf);
	(v2sf) =	vpush v1, $0xC;
	s4 =	smov.u32 @p3 s6  }
0x169: {  	s5 =	simm.s32 @p0 $0xD;
	p0 =	seq.s32 s22, $0x1;
	p2 =	sgt.f32 s7, s4  }
0x16a: {  	s26 =	sld [smem:$0x7DE];
	s5 =	simm.s32 @p0 $0xE  }
0x16b: {  	p0 =	seq.s32 s23, $0x1;
	s6 =	spop (v2sf);
	(v2sf) =	vpush v1, $0xD;
	s4 =	smov.u32 @p2 s7  }
0x16c: {  	s5 =	simm.s32 @p0 $0xF;
	p0 =	seq.s32 s24, $0x1;
	p1 =	sgt.f32 s6, s4  }
0x16d: {  	s28 =	sld [smem:$0x7DF];
	s5 =	simm.s32 @p0 $0x10  }
0x16e: {  	p0 =	seq.s32 s25, $0x1;
	s7 =	spop (v2sf);
	(v2sf) =	vpush v1, $0xE;
	s4 =	smov.u32 @p1 s6  }
0x16f: {  	p6 =	seq.s32 s26, $0x1;
	s5 =	simm.s32 @p0 $0x11;
	p0 =	sgt.f32 s7, s4  }
0x170: {  	s5 =	simm.s32 @p6 $0x12  }
0x171: {  	p6 =	seq.s32 s28, $0x1;
	s6 =	spop (v2sf);
	(v2sf) =	vpush v1, $0xF;
	s4 =	smov.u32 @p0 s7  }
0x172: {  	s5 =	simm.s32 @p6 $0x13;
	p6 =	sgt.f32 s6, s4;
	_ =	sdelay $0x1  }
0x173: {  	s5 =	simm.s32 @p5 $0x14;
	s7 =	spop (v2sf);
	s4 =	smov.u32 @p6 s6  }
0x174: {  	s5 =	simm.s32 @p4 $0x15;
	p4 =	sgt.f32 s7, s4;
	_ =	sdelay $0x1  }
0x175: {  	s5 =	simm.s32 @p3 $0x16;
	s6 =	spop (v2sf);
	s4 =	smov.u32 @p4 s7  }
0x176: {  	s5 =	simm.s32 @p2 $0x17;
	p2 =	sgt.f32 s6, s4;
	_ =	sdelay $0x1  }
0x177: {  	s5 =	simm.s32 @p1 $0x18;
	s7 =	spop (v2sf);
	s4 =	smov.u32 @p2 s6  }
0x178: {  	s5 =	simm.s32 @p0 $0x19;
	p0 =	sgt.f32 s7, s4;
	_ =	sdelay $0x1  }
0x179: {  	s6 =	spop (v2sf);
	s4 =	smov.u32 @p0 s7  }
0x17a: {  	s5 =	simm.s32 @p6 $0x1A;
	p1 =	sgt.f32 s6, s4  }
0x17b: {  	s5 =	simm.s32 @p4 $0x1B  }
0x17c: {  	s5 =	simm.s32 @p2 $0x1C;
	s29 =	spop (v2sf);
	s4 =	smov.u32 @p1 s6  }
0x17d: {  	s5 =	simm.s32 @p0 $0x1D;
	p0 =	sgt.f32 s29, s4  }
0x17e: {  	s5 =	simm.s32 @p1 $0x1E  }
0x17f: {  	s5 =	simm.s32 @p0 $0x1F  }
0x180: {  	s30 =	rddreg [dreg:$0x4];
	v63 =	vmov s5  }
0x181: {  	s31 =	rddreg [dreg:$0x3];
	[tilespmem:$0x80] =	vst v63  }
0x182: {  	[hbm4b:s31+s3] =	stream.linear.scatter [tilespmem:s30], [sflag:$0x1], $0x80, $0x38;
	[tilespmem:$0x100] =	vst v63  }
0x183: {  	_ =	swait.ge [sflag:s2], $0x80  }
0x184: {  	[sflag:s2] =	ssyncset.done $0x0  }
0x185: {  	[sflag:s2] =	ssyncadd.s32 $0xFFFFFF80  }
.LBB2_7:
0x186: {  	_ =	sfence.sel $0x180000  }
0x187: {  	[bflag:$0x0] =	sbarrier.arrive $0xFFFF  }
0x188: {  	p0 =	sne.s32 s0, $0x0;
	_ =	strace $0x90000047  }
0x189: {  	s0 =	sadd.s32 @!p0 $0x100000, s1;
	[bflag:$0x2] =	sbarrier.arrive $0xFFFF  }
0x18a: {  	[sflag:s0] =	ssyncadd.tile.s32 @!p0 $0x1;
	_ =	shalt  }
.LBB2_3:
.Ltmp4:
0x18b: {  	(pc) =	sbr.rel .LBB2_6-.Ltmp4, $2  }
0x18c: {  	_ =	sdelay $0x2  }
0x18d: {  	p1 =	por $0x1, $0x1  }
.Lfunc_end2:
_tile_overlayer_lowered:
.L_overlay_start_2:
0x18e: {  	(tag) =	ssettag $0x2  }
0x18f: {  	s0 =	rddreg [dreg:$0x0];
	s2 =	stileid.u32  }
0x190: {  	s1 =	rddreg [dreg:$0x1];
	p0 =	sne.s32 s2, $0x0  }
0x191: {  	s3 =	rddreg [dreg:$0x2];
	[bflag:$0x3] =	sbarrier.arrive $0xFFFF;
	s2 =	simm.s32 @!p0 $0x1C01  }
0x192: {  	[timem:s3], [sflag:s2] =	dma.local @!p0 [hbm:s0], s1  }
0x193: {  	s0 =	simm.s32 @!p0 $0x1  }
0x194: {  	_ =	swait.ge @!p0 [sflag:s0], s1  }
0x195: {  	s1 =	ssub.s32 @!p0 $0x0, s1;
	[sflag:s0] =	ssyncset.done @!p0 $0x0  }
0x196: {  	[sflag:s0] =	ssyncadd.s32 @!p0 s1  }
0x197: {  	[bflag:$0x3] =	sbarrier.arrive $0xFFFF  }
0x198: {  	_ =	shalt  }

</sc_bundles>
